<compile_context>
chip_gen: v7x
topology: tpu7x:2x2x1
jax: 0.10.2.dev20260603
libtpu: 0.0.44.dev20260713+nightly
codegen_flags: <defaults>
</compile_context>

<pallas_src>
import functools

import jax
import jax.numpy as jnp
from jax import lax
from jax.experimental import pallas as pl
from jax.experimental.pallas import tpu as pltpu
from jax.experimental.pallas import tpu_sc as plsc

N = 10000
D = 128
HD = D // 2
R = 10240
NC, NS, L = 2, 16, 16
CH = 128
E = 320000
ECHUNKS = -(-E // (NS * CH))
ET = ECHUNKS * CH
EPAD = ET * NS
RPT = R // NS
CW = 16


def _make_sc_agg(with_counts):
    mesh = plsc.VectorSubcoreMesh(core_axis_name="c", subcore_axis_name="s")

    out_type = [jax.ShapeDtypeStruct((NC, R, HD), jnp.float32)]
    scratch = [
        pltpu.VMEM((CH,), jnp.int32),
        pltpu.VMEM((CH,), jnp.int32),
        pltpu.VMEM((CH, HD), jnp.float32),
        pltpu.VMEM((CH, HD), jnp.float32),
        pltpu.SemaphoreType.DMA,
        pltpu.VMEM_SHARED((R, HD), jnp.float32),
    ]
    if with_counts:
        out_type.append(jax.ShapeDtypeStruct((R, CW), jnp.float32))
        scratch += [
            pltpu.VMEM((CH, CW), jnp.float32),
            pltpu.VMEM((CH, CW), jnp.float32),
            pltpu.VMEM_SHARED((R, CW), jnp.float32),
        ]

    @functools.partial(pl.kernel, out_type=out_type, mesh=mesh,
                       scratch_types=scratch,
                       compiler_params=pltpu.CompilerParams(
                           use_tc_tiling_on_sc=False))
    def k(table_h, srcs_h, dst_h, zeros_h, zo16_h, *refs):
        if with_counts:
            (acc_out, cnt_out, src_v, dst_v, rows_v, zero_v, sem, acc_sh,
             ones_v, cntb_v, cnt_sh) = refs
        else:
            acc_out, src_v, dst_v, rows_v, zero_v, sem, acc_sh = refs
        cid = lax.axis_index("c")
        sid = lax.axis_index("s")

        pltpu.sync_copy(zeros_h, zero_v)
        for t in range(RPT // CH):
            pltpu.sync_copy(zero_v, acc_sh.at[pl.ds(sid * RPT + t * CH, CH)])
        if with_counts:
            pltpu.sync_copy(zo16_h.at[pl.ds(CH, CH)], ones_v)
            pltpu.sync_copy(zo16_h.at[pl.ds(0, CH)], cntb_v)
            for t in range(RPT // CH):
                pltpu.sync_copy(cntb_v, cnt_sh.at[pl.ds(sid * RPT + t * CH, CH)])
        plsc.subcore_barrier()

        base = sid * ET

        def chunk(j, carry):
            off = base + j * CH
            pltpu.sync_copy(srcs_h.at[cid, pl.ds(off, CH)], src_v)
            pltpu.sync_copy(dst_h.at[pl.ds(off, CH)], dst_v)
            gat = pltpu.async_copy(table_h.at[src_v], rows_v, sem)
            if with_counts:
                @pl.when(cid == 0)
                def _():
                    pltpu.sync_copy(ones_v, cnt_sh.at[dst_v], add=True)
            gat.wait()
            pltpu.sync_copy(rows_v, acc_sh.at[dst_v], add=True)
            return carry

        lax.fori_loop(0, ECHUNKS, chunk, 0)
        plsc.subcore_barrier()
        for t in range(RPT // CH):
            pltpu.sync_copy(acc_sh.at[pl.ds(sid * RPT + t * CH, CH)], rows_v)
            pltpu.sync_copy(rows_v, acc_out.at[cid, pl.ds(sid * RPT + t * CH, CH)])
        if with_counts:
            @pl.when(cid == 0)
            def _():
                for t in range(RPT // CH):
                    pltpu.sync_copy(cnt_sh.at[pl.ds(sid * RPT + t * CH, CH)], cntb_v)
                    pltpu.sync_copy(cntb_v, cnt_out.at[pl.ds(sid * RPT + t * CH, CH)])

    return k


_sc_agg_cnt = _make_sc_agg(True)
_sc_agg = _make_sc_agg(False)


BM = 1024


def _tc_linear(x, W, b):
    Do = W.shape[1]

    def body(x_r, w_r, b_r, o_r):
        o_r[...] = jnp.dot(x_r[...], w_r[...],
                           preferred_element_type=jnp.float32) + b_r[...]

    return pl.pallas_call(
        body,
        grid=(R // BM,),
        in_specs=[pl.BlockSpec((BM, D), lambda i: (i, 0)),
                  pl.BlockSpec((D, Do), lambda i: (0, 0)),
                  pl.BlockSpec((1, Do), lambda i: (0, 0))],
        out_specs=pl.BlockSpec((BM, Do), lambda i: (i, 0)),
        out_shape=jax.ShapeDtypeStruct((R, Do), jnp.float32),
    )(x, W, b)


def _tc_combine(a0, a1, c, pre, Wl):

    def body(a0r, a1r, cr, prer, wr, o_r):
        r = 1.0 / jnp.maximum(cr[...], 1.0)
        mean = jnp.concatenate([a0r[...], a1r[...]], axis=-1) * r
        o_r[...] = jnp.maximum(
            jnp.dot(mean, wr[...], preferred_element_type=jnp.float32)
            + prer[...], 0.0)

    return pl.pallas_call(
        body,
        grid=(R // BM,),
        in_specs=[pl.BlockSpec((BM, HD), lambda i: (i, 0)),
                  pl.BlockSpec((BM, HD), lambda i: (i, 0)),
                  pl.BlockSpec((BM, 1), lambda i: (i, 0)),
                  pl.BlockSpec((BM, D), lambda i: (i, 0)),
                  pl.BlockSpec((D, D), lambda i: (0, 0))],
        out_specs=pl.BlockSpec((BM, D), lambda i: (i, 0)),
        out_shape=jax.ShapeDtypeStruct((R, D), jnp.float32),
    )(a0, a1, c, pre, Wl)


def _tc_heads(a0, a1, c, pre, W2l, Wt, bt, Wi, bi, Wmh, Wmt, Wmi, bm):
    NT, NI, NM = Wt.shape[1], Wi.shape[1], Wmh.shape[1]

    def body(a0r, a1r, cr, prer, w2r, wtr, btr, wir, bir,
             wmhr, wmtr, wmir, bmr, tlr, ilr, imr):
        r = 1.0 / jnp.maximum(cr[...], 1.0)
        mean = jnp.concatenate([a0r[...], a1r[...]], axis=-1) * r
        h = jnp.maximum(
            jnp.dot(mean, w2r[...], preferred_element_type=jnp.float32)
            + prer[...], 0.0)
        tl = jnp.dot(h, wtr[...], preferred_element_type=jnp.float32) + btr[...]
        il = jnp.dot(h, wir[...], preferred_element_type=jnp.float32) + bir[...]
        tp = 1.0 / (1.0 + jnp.exp(-tl))
        m = jnp.max(il, axis=-1, keepdims=True)
        e = jnp.exp(il - m)
        ip = e / jnp.sum(e, axis=-1, keepdims=True)
        im = (jnp.dot(h, wmhr[...], preferred_element_type=jnp.float32)
              + jnp.dot(tp, wmtr[...], preferred_element_type=jnp.float32)
              + jnp.dot(ip, wmir[...], preferred_element_type=jnp.float32)
              + bmr[...])
        tlr[...] = tl
        ilr[...] = il
        imr[...] = im

    full = lambda shape: pl.BlockSpec(shape, lambda i: (0, 0))
    row = lambda w: pl.BlockSpec((BM, w), lambda i: (i, 0))
    return pl.pallas_call(
        body,
        grid=(R // BM,),
        in_specs=[row(HD), row(HD), row(1), row(D),
                  full((D, D)),
                  full((D, NT)), full((1, NT)),
                  full((D, NI)), full((1, NI)),
                  full((D, NM)), full((NT, NM)), full((NI, NM)), full((1, NM))],
        out_specs=[row(NT), row(NI), row(NM)],
        out_shape=[jax.ShapeDtypeStruct((R, NT), jnp.float32),
                   jax.ShapeDtypeStruct((R, NI), jnp.float32),
                   jax.ShapeDtypeStruct((R, NM), jnp.float32)],
    )(a0, a1, c, pre, W2l, Wt, bt, Wi, bi, Wmh, Wmt, Wmi, bm)


def kernel(x, edge_index, W1l, W1r, b1, W2l, W2r, b2, Wt, bt, Wi, bi, Wm, bm):
    x_pad = jnp.pad(x, ((0, R - N), (0, 0)))
    src = edge_index[0]
    dst = edge_index[1]
    pad_n = EPAD - E
    src_p = jnp.concatenate([src, jnp.zeros((pad_n,), jnp.int32)])
    dst_p = jnp.concatenate(
        [dst, N + (jnp.arange(pad_n, dtype=jnp.int32) % (R - N))])
    srcs = jnp.stack([2 * src_p, 2 * src_p + 1])
    zeros = jnp.zeros((CH, HD), jnp.float32)
    zo16 = jnp.concatenate([jnp.zeros((CH, CW), jnp.float32),
                            jnp.ones((CH, CW), jnp.float32)])

    pre1 = _tc_linear(x_pad, W1r, b1.reshape(1, D))
    a1, cnt = _sc_agg_cnt(x_pad.reshape(2 * R, HD), srcs, dst_p, zeros, zo16)
    c = cnt[:, 0].reshape(R, 1)
    h1 = _tc_combine(a1[0], a1[1], c, pre1, W1l)

    pre2 = _tc_linear(h1, W2r, b2.reshape(1, D))
    a2, = _sc_agg(h1.reshape(2 * R, HD), srcs, dst_p, zeros, zo16)
    tl, il, im = _tc_heads(
        a2[0], a2[1], c, pre2, W2l,
        Wt, bt.reshape(1, -1), Wi, bi.reshape(1, -1),
        Wm[:D], Wm[D:D + 32], Wm[D + 32:], bm.reshape(1, -1))
    return (tl[:N], il[:N], im[:N])

# --- scband reference (transcript-rebuilt; emitter-appended) ---
"""Pipeline reference for scband-gnnclassifier-9577777070664 (READ-ONLY COPY).

The authoritative reference and input builder live on the scoring server;
editing this copy changes nothing except your own understanding.
"""

import jax, jax.numpy as jnp
import numpy as np

N_NODES = 10000
N_EDGES = 320000
D_IN = 128
D_HID = 128
N_TGT = 32
N_INT = 16
N_IMP = 8


def setup_inputs(seed: int = 0) -> dict:
    key = jax.random.key(seed)
    ks = jax.random.split(key, 16)
    x = jax.random.normal(ks[0], (N_NODES, D_IN), dtype=jnp.float32)
    edge_index = jax.random.randint(ks[1], (2, N_EDGES), 0, N_NODES, dtype=jnp.int32)

    def init_w(k, fan_in, fan_out):
        return jax.random.normal(k, (fan_in, fan_out), dtype=jnp.float32) / np.sqrt(fan_in)

    # SAGEConv1: lin_l (aggregated neighbors, with bias), lin_r (root)
    W1l = init_w(ks[2], D_IN, D_HID)
    W1r = init_w(ks[3], D_IN, D_HID)
    b1 = jnp.zeros((D_HID,), dtype=jnp.float32)
    # SAGEConv2
    W2l = init_w(ks[4], D_HID, D_HID)
    W2r = init_w(ks[5], D_HID, D_HID)
    b2 = jnp.zeros((D_HID,), dtype=jnp.float32)
    # heads
    Wt = init_w(ks[6], D_HID, N_TGT)
    bt = jnp.zeros((N_TGT,), dtype=jnp.float32)
    Wi = init_w(ks[7], D_HID, N_INT)
    bi = jnp.zeros((N_INT,), dtype=jnp.float32)
    Wm = init_w(ks[8], D_HID + N_TGT + N_INT, N_IMP)
    bm = jnp.zeros((N_IMP,), dtype=jnp.float32)
    return {"x": x, "edge_index": edge_index,
            "W1l": W1l, "W1r": W1r, "b1": b1,
            "W2l": W2l, "W2r": W2r, "b2": b2,
            "Wt": Wt, "bt": bt, "Wi": Wi, "bi": bi, "Wm": Wm, "bm": bm}


def _sage_conv(x, src, dst, Wl, Wr, b, n_nodes):
    # mean aggregation of source-node features into destination nodes
    msgs = jnp.take(x, src, axis=0)
    agg = jax.ops.segment_sum(msgs, dst, num_segments=n_nodes)
    cnt = jax.ops.segment_sum(jnp.ones((src.shape[0], 1), dtype=x.dtype), dst, num_segments=n_nodes)
    mean = agg / jnp.maximum(cnt, 1.0)
    return mean @ Wl + x @ Wr + b


def reference(x, edge_index, W1l, W1r, b1, W2l, W2r, b2, Wt, bt, Wi, bi, Wm, bm):
    src = edge_index[0]
    dst = edge_index[1]
    n = x.shape[0]
    h = jax.nn.relu(_sage_conv(x, src, dst, W1l, W1r, b1, n))
    # dropout p=0.3 is identity in eval mode
    h = jax.nn.relu(_sage_conv(h, src, dst, W2l, W2r, b2, n))
    target_logits = h @ Wt + bt
    intent_logits = h @ Wi + bi
    target_probs = jax.nn.sigmoid(target_logits)
    intent_probs = jax.nn.softmax(intent_logits, axis=-1)
    implication_input = jnp.concatenate([h, target_probs, intent_probs], axis=-1)
    implication_logits = implication_input @ Wm + bm
    return (target_logits, intent_logits, implication_logits)

if __name__ == "__main__":
    import jax
    _d = setup_inputs()
    print(jax.jit(kernel)(*tuple(_d.values())))

</pallas_src>

<mosaic_0001>
#map = affine_map<(d0, d1) -> (0, 0)>
#map1 = affine_map<(d0, d1) -> (0)>
#map2 = affine_map<(d0, d1) -> (0, 0, 0)>
module attributes {stable_mosaic.version = 14 : i64} {
  func.func @k(%arg0: i32, %arg1: i32, %arg2: memref<20480x64xf32, #tpu.memory_space<hbm>>, %arg3: memref<2x321536xi32, #tpu.memory_space<hbm>>, %arg4: memref<321536xi32, #tpu.memory_space<hbm>>, %arg5: memref<128x64xf32, #tpu.memory_space<hbm>>, %arg6: memref<256x16xf32, #tpu.memory_space<hbm>>, %arg7: memref<2x10240x64xf32, #tpu.memory_space<hbm>>, %arg8: memref<10240x16xf32, #tpu.memory_space<hbm>>, %arg9: memref<128xi32, #tpu.memory_space<vmem>>, %arg10: memref<128xi32, #tpu.memory_space<vmem>>, %arg11: memref<128x64xf32, #tpu.memory_space<vmem>>, %arg12: memref<128x64xf32, #tpu.memory_space<vmem>>, %arg13: memref<!tpu.dma_semaphore, #tpu.memory_space<semaphore_mem>>, %arg14: memref<10240x64xf32, #tpu.memory_space<vmem_shared>>, %arg15: memref<128x16xf32, #tpu.memory_space<vmem>>, %arg16: memref<128x16xf32, #tpu.memory_space<vmem>>, %arg17: memref<10240x16xf32, #tpu.memory_space<vmem_shared>>) attributes {dimension_semantics = [#tpu.dimension_semantics<core_parallel>, #tpu.dimension_semantics<subcore_parallel>], iteration_bounds = array<i64: 2, 16>, scalar_prefetch = 0 : i64, scratch_operands = 9 : i64, tpu.core_type = #tpu.core_type<sc_vector_subcore>, window_params = [{transform_indices = #map}, {transform_indices = #map}, {transform_indices = #map1}, {transform_indices = #map}, {transform_indices = #map}, {transform_indices = #map2}, {transform_indices = #map}]} {
    "tpu.region"() ({
      %run_scoped3A = tpu.sem_alloc : memref<!tpu.dma_semaphore, #tpu.memory_space<semaphore_mem>>
      tpu.enqueue_dma source(%arg5 : memref<128x64xf32, #tpu.memory_space<hbm>>) target(%arg12 : memref<128x64xf32, #tpu.memory_space<vmem>>) target_semaphore(%run_scoped3A : memref<!tpu.dma_semaphore, #tpu.memory_space<semaphore_mem>>)
      tpu.wait_dma2 semaphore(%run_scoped3A : memref<!tpu.dma_semaphore, #tpu.memory_space<semaphore_mem>>) src(%arg5 : memref<128x64xf32, #tpu.memory_space<hbm>>) dst(%arg12 : memref<128x64xf32, #tpu.memory_space<vmem>>)
      tpu.yield
    }) : () -> ()
    %mul3A = arith.constant 640 : i32
    %mul3A_0 = arith.muli %arg1, %mul3A : i32
    %add3A = arith.constant 0 : i32
    %add3A_1 = arith.addi %mul3A_0, %add3A : i32
    "tpu.region"() ({
      %run_scoped3A = tpu.sem_alloc : memref<!tpu.dma_semaphore, #tpu.memory_space<semaphore_mem>>
      %dma_start3A = arith.constant 0 : i32
      %dma_start3A_88 = tpu.memref_slice %arg14[%add3A_1, %dma_start3A] : memref<10240x64xf32, #tpu.memory_space<vmem_shared>> -> memref<128x64xf32, #tpu.memory_space<vmem_shared>>
      %dma_start3A_89 = arith.constant 0 : i32
      %dma_start3A_90 = tpu.memref_slice %arg14[%add3A_1, %dma_start3A_89] : memref<10240x64xf32, #tpu.memory_space<vmem_shared>> -> memref<128x64xf32, #tpu.memory_space<vmem_shared>>
      tpu.enqueue_dma source(%arg12 : memref<128x64xf32, #tpu.memory_space<vmem>>) target(%dma_start3A_90 : memref<128x64xf32, #tpu.memory_space<vmem_shared>>) target_semaphore(%run_scoped3A : memref<!tpu.dma_semaphore, #tpu.memory_space<semaphore_mem>>)
      %dma_wait3A = arith.constant 0 : i32
      %dma_wait3A_91 = tpu.memref_slice %arg14[%add3A_1, %dma_wait3A] : memref<10240x64xf32, #tpu.memory_space<vmem_shared>> -> memref<128x64xf32, #tpu.memory_space<vmem_shared>>
      %dma_wait3A_92 = arith.constant 0 : i32
      %dma_wait3A_93 = tpu.memref_slice %arg14[%add3A_1, %dma_wait3A_92] : memref<10240x64xf32, #tpu.memory_space<vmem_shared>> -> memref<128x64xf32, #tpu.memory_space<vmem_shared>>
      tpu.wait_dma2 semaphore(%run_scoped3A : memref<!tpu.dma_semaphore, #tpu.memory_space<semaphore_mem>>) src(%arg12 : memref<128x64xf32, #tpu.memory_space<vmem>>) dst(%dma_wait3A_93 : memref<128x64xf32, #tpu.memory_space<vmem_shared>>)
      tpu.yield
    }) : () -> ()
    %mul3A_2 = arith.constant 640 : i32
    %mul3A_3 = arith.muli %arg1, %mul3A_2 : i32
    %add3A_4 = arith.constant 128 : i32
    %add3A_5 = arith.addi %mul3A_3, %add3A_4 : i32
    "tpu.region"() ({
      %run_scoped3A = tpu.sem_alloc : memref<!tpu.dma_semaphore, #tpu.memory_space<semaphore_mem>>
      %dma_start3A = arith.constant 0 : i32
      %dma_start3A_88 = tpu.memref_slice %arg14[%add3A_5, %dma_start3A] : memref<10240x64xf32, #tpu.memory_space<vmem_shared>> -> memref<128x64xf32, #tpu.memory_space<vmem_shared>>
      %dma_start3A_89 = arith.constant 0 : i32
      %dma_start3A_90 = tpu.memref_slice %arg14[%add3A_5, %dma_start3A_89] : memref<10240x64xf32, #tpu.memory_space<vmem_shared>> -> memref<128x64xf32, #tpu.memory_space<vmem_shared>>
      tpu.enqueue_dma source(%arg12 : memref<128x64xf32, #tpu.memory_space<vmem>>) target(%dma_start3A_90 : memref<128x64xf32, #tpu.memory_space<vmem_shared>>) target_semaphore(%run_scoped3A : memref<!tpu.dma_semaphore, #tpu.memory_space<semaphore_mem>>)
      %dma_wait3A = arith.constant 0 : i32
      %dma_wait3A_91 = tpu.memref_slice %arg14[%add3A_5, %dma_wait3A] : memref<10240x64xf32, #tpu.memory_space<vmem_shared>> -> memref<128x64xf32, #tpu.memory_space<vmem_shared>>
      %dma_wait3A_92 = arith.constant 0 : i32
      %dma_wait3A_93 = tpu.memref_slice %arg14[%add3A_5, %dma_wait3A_92] : memref<10240x64xf32, #tpu.memory_space<vmem_shared>> -> memref<128x64xf32, #tpu.memory_space<vmem_shared>>
      tpu.wait_dma2 semaphore(%run_scoped3A : memref<!tpu.dma_semaphore, #tpu.memory_space<semaphore_mem>>) src(%arg12 : memref<128x64xf32, #tpu.memory_space<vmem>>) dst(%dma_wait3A_93 : memref<128x64xf32, #tpu.memory_space<vmem_shared>>)
      tpu.yield
    }) : () -> ()
    %mul3A_6 = arith.constant 640 : i32
    %mul3A_7 = arith.muli %arg1, %mul3A_6 : i32
    %add3A_8 = arith.constant 256 : i32
    %add3A_9 = arith.addi %mul3A_7, %add3A_8 : i32
    "tpu.region"() ({
      %run_scoped3A = tpu.sem_alloc : memref<!tpu.dma_semaphore, #tpu.memory_space<semaphore_mem>>
      %dma_start3A = arith.constant 0 : i32
      %dma_start3A_88 = tpu.memref_slice %arg14[%add3A_9, %dma_start3A] : memref<10240x64xf32, #tpu.memory_space<vmem_shared>> -> memref<128x64xf32, #tpu.memory_space<vmem_shared>>
      %dma_start3A_89 = arith.constant 0 : i32
      %dma_start3A_90 = tpu.memref_slice %arg14[%add3A_9, %dma_start3A_89] : memref<10240x64xf32, #tpu.memory_space<vmem_shared>> -> memref<128x64xf32, #tpu.memory_space<vmem_shared>>
      tpu.enqueue_dma source(%arg12 : memref<128x64xf32, #tpu.memory_space<vmem>>) target(%dma_start3A_90 : memref<128x64xf32, #tpu.memory_space<vmem_shared>>) target_semaphore(%run_scoped3A : memref<!tpu.dma_semaphore, #tpu.memory_space<semaphore_mem>>)
      %dma_wait3A = arith.constant 0 : i32
      %dma_wait3A_91 = tpu.memref_slice %arg14[%add3A_9, %dma_wait3A] : memref<10240x64xf32, #tpu.memory_space<vmem_shared>> -> memref<128x64xf32, #tpu.memory_space<vmem_shared>>
      %dma_wait3A_92 = arith.constant 0 : i32
      %dma_wait3A_93 = tpu.memref_slice %arg14[%add3A_9, %dma_wait3A_92] : memref<10240x64xf32, #tpu.memory_space<vmem_shared>> -> memref<128x64xf32, #tpu.memory_space<vmem_shared>>
      tpu.wait_dma2 semaphore(%run_scoped3A : memref<!tpu.dma_semaphore, #tpu.memory_space<semaphore_mem>>) src(%arg12 : memref<128x64xf32, #tpu.memory_space<vmem>>) dst(%dma_wait3A_93 : memref<128x64xf32, #tpu.memory_space<vmem_shared>>)
      tpu.yield
    }) : () -> ()
    %mul3A_10 = arith.constant 640 : i32
    %mul3A_11 = arith.muli %arg1, %mul3A_10 : i32
    %add3A_12 = arith.constant 384 : i32
    %add3A_13 = arith.addi %mul3A_11, %add3A_12 : i32
    "tpu.region"() ({
      %run_scoped3A = tpu.sem_alloc : memref<!tpu.dma_semaphore, #tpu.memory_space<semaphore_mem>>
      %dma_start3A = arith.constant 0 : i32
      %dma_start3A_88 = tpu.memref_slice %arg14[%add3A_13, %dma_start3A] : memref<10240x64xf32, #tpu.memory_space<vmem_shared>> -> memref<128x64xf32, #tpu.memory_space<vmem_shared>>
      %dma_start3A_89 = arith.constant 0 : i32
      %dma_start3A_90 = tpu.memref_slice %arg14[%add3A_13, %dma_start3A_89] : memref<10240x64xf32, #tpu.memory_space<vmem_shared>> -> memref<128x64xf32, #tpu.memory_space<vmem_shared>>
      tpu.enqueue_dma source(%arg12 : memref<128x64xf32, #tpu.memory_space<vmem>>) target(%dma_start3A_90 : memref<128x64xf32, #tpu.memory_space<vmem_shared>>) target_semaphore(%run_scoped3A : memref<!tpu.dma_semaphore, #tpu.memory_space<semaphore_mem>>)
      %dma_wait3A = arith.constant 0 : i32
      %dma_wait3A_91 = tpu.memref_slice %arg14[%add3A_13, %dma_wait3A] : memref<10240x64xf32, #tpu.memory_space<vmem_shared>> -> memref<128x64xf32, #tpu.memory_space<vmem_shared>>
      %dma_wait3A_92 = arith.constant 0 : i32
      %dma_wait3A_93 = tpu.memref_slice %arg14[%add3A_13, %dma_wait3A_92] : memref<10240x64xf32, #tpu.memory_space<vmem_shared>> -> memref<128x64xf32, #tpu.memory_space<vmem_shared>>
      tpu.wait_dma2 semaphore(%run_scoped3A : memref<!tpu.dma_semaphore, #tpu.memory_space<semaphore_mem>>) src(%arg12 : memref<128x64xf32, #tpu.memory_space<vmem>>) dst(%dma_wait3A_93 : memref<128x64xf32, #tpu.memory_space<vmem_shared>>)
      tpu.yield
    }) : () -> ()
    %mul3A_14 = arith.constant 640 : i32
    %mul3A_15 = arith.muli %arg1, %mul3A_14 : i32
    %add3A_16 = arith.constant 512 : i32
    %add3A_17 = arith.addi %mul3A_15, %add3A_16 : i32
    "tpu.region"() ({
      %run_scoped3A = tpu.sem_alloc : memref<!tpu.dma_semaphore, #tpu.memory_space<semaphore_mem>>
      %dma_start3A = arith.constant 0 : i32
      %dma_start3A_88 = tpu.memref_slice %arg14[%add3A_17, %dma_start3A] : memref<10240x64xf32, #tpu.memory_space<vmem_shared>> -> memref<128x64xf32, #tpu.memory_space<vmem_shared>>
      %dma_start3A_89 = arith.constant 0 : i32
      %dma_start3A_90 = tpu.memref_slice %arg14[%add3A_17, %dma_start3A_89] : memref<10240x64xf32, #tpu.memory_space<vmem_shared>> -> memref<128x64xf32, #tpu.memory_space<vmem_shared>>
      tpu.enqueue_dma source(%arg12 : memref<128x64xf32, #tpu.memory_space<vmem>>) target(%dma_start3A_90 : memref<128x64xf32, #tpu.memory_space<vmem_shared>>) target_semaphore(%run_scoped3A : memref<!tpu.dma_semaphore, #tpu.memory_space<semaphore_mem>>)
      %dma_wait3A = arith.constant 0 : i32
      %dma_wait3A_91 = tpu.memref_slice %arg14[%add3A_17, %dma_wait3A] : memref<10240x64xf32, #tpu.memory_space<vmem_shared>> -> memref<128x64xf32, #tpu.memory_space<vmem_shared>>
      %dma_wait3A_92 = arith.constant 0 : i32
      %dma_wait3A_93 = tpu.memref_slice %arg14[%add3A_17, %dma_wait3A_92] : memref<10240x64xf32, #tpu.memory_space<vmem_shared>> -> memref<128x64xf32, #tpu.memory_space<vmem_shared>>
      tpu.wait_dma2 semaphore(%run_scoped3A : memref<!tpu.dma_semaphore, #tpu.memory_space<semaphore_mem>>) src(%arg12 : memref<128x64xf32, #tpu.memory_space<vmem>>) dst(%dma_wait3A_93 : memref<128x64xf32, #tpu.memory_space<vmem_shared>>)
      tpu.yield
    }) : () -> ()
    "tpu.region"() ({
      %run_scoped3A = tpu.sem_alloc : memref<!tpu.dma_semaphore, #tpu.memory_space<semaphore_mem>>
      %dma_start3A = arith.constant 128 : i32
      %dma_start3A_88 = arith.constant 0 : i32
      %dma_start3A_89 = tpu.memref_slice %arg6[%dma_start3A, %dma_start3A_88] : memref<256x16xf32, #tpu.memory_space<hbm>> -> memref<128x16xf32, #tpu.memory_space<hbm>>
      %dma_start3A_90 = arith.constant 128 : i32
      %dma_start3A_91 = arith.constant 0 : i32
      %dma_start3A_92 = tpu.memref_slice %arg6[%dma_start3A_90, %dma_start3A_91] : memref<256x16xf32, #tpu.memory_space<hbm>> -> memref<128x16xf32, #tpu.memory_space<hbm>>
      tpu.enqueue_dma source(%dma_start3A_92 : memref<128x16xf32, #tpu.memory_space<hbm>>) target(%arg15 : memref<128x16xf32, #tpu.memory_space<vmem>>) target_semaphore(%run_scoped3A : memref<!tpu.dma_semaphore, #tpu.memory_space<semaphore_mem>>)
      %dma_wait3A = arith.constant 128 : i32
      %dma_wait3A_93 = arith.constant 0 : i32
      %dma_wait3A_94 = tpu.memref_slice %arg6[%dma_wait3A, %dma_wait3A_93] : memref<256x16xf32, #tpu.memory_space<hbm>> -> memref<128x16xf32, #tpu.memory_space<hbm>>
      %dma_wait3A_95 = arith.constant 128 : i32
      %dma_wait3A_96 = arith.constant 0 : i32
      %dma_wait3A_97 = tpu.memref_slice %arg6[%dma_wait3A_95, %dma_wait3A_96] : memref<256x16xf32, #tpu.memory_space<hbm>> -> memref<128x16xf32, #tpu.memory_space<hbm>>
      tpu.wait_dma2 semaphore(%run_scoped3A : memref<!tpu.dma_semaphore, #tpu.memory_space<semaphore_mem>>) src(%dma_wait3A_97 : memref<128x16xf32, #tpu.memory_space<hbm>>) dst(%arg15 : memref<128x16xf32, #tpu.memory_space<vmem>>)
      tpu.yield
    }) : () -> ()
    "tpu.region"() ({
      %run_scoped3A = tpu.sem_alloc : memref<!tpu.dma_semaphore, #tpu.memory_space<semaphore_mem>>
      %dma_start3A = arith.constant 0 : i32
      %dma_start3A_88 = arith.constant 0 : i32
      %dma_start3A_89 = tpu.memref_slice %arg6[%dma_start3A, %dma_start3A_88] : memref<256x16xf32, #tpu.memory_space<hbm>> -> memref<128x16xf32, #tpu.memory_space<hbm>>
      %dma_start3A_90 = arith.constant 0 : i32
      %dma_start3A_91 = arith.constant 0 : i32
      %dma_start3A_92 = tpu.memref_slice %arg6[%dma_start3A_90, %dma_start3A_91] : memref<256x16xf32, #tpu.memory_space<hbm>> -> memref<128x16xf32, #tpu.memory_space<hbm>>
      tpu.enqueue_dma source(%dma_start3A_92 : memref<128x16xf32, #tpu.memory_space<hbm>>) target(%arg16 : memref<128x16xf32, #tpu.memory_space<vmem>>) target_semaphore(%run_scoped3A : memref<!tpu.dma_semaphore, #tpu.memory_space<semaphore_mem>>)
      %dma_wait3A = arith.constant 0 : i32
      %dma_wait3A_93 = arith.constant 0 : i32
      %dma_wait3A_94 = tpu.memref_slice %arg6[%dma_wait3A, %dma_wait3A_93] : memref<256x16xf32, #tpu.memory_space<hbm>> -> memref<128x16xf32, #tpu.memory_space<hbm>>
      %dma_wait3A_95 = arith.constant 0 : i32
      %dma_wait3A_96 = arith.constant 0 : i32
      %dma_wait3A_97 = tpu.memref_slice %arg6[%dma_wait3A_95, %dma_wait3A_96] : memref<256x16xf32, #tpu.memory_space<hbm>> -> memref<128x16xf32, #tpu.memory_space<hbm>>
      tpu.wait_dma2 semaphore(%run_scoped3A : memref<!tpu.dma_semaphore, #tpu.memory_space<semaphore_mem>>) src(%dma_wait3A_97 : memref<128x16xf32, #tpu.memory_space<hbm>>) dst(%arg16 : memref<128x16xf32, #tpu.memory_space<vmem>>)
      tpu.yield
    }) : () -> ()
    %mul3A_18 = arith.constant 640 : i32
    %mul3A_19 = arith.muli %arg1, %mul3A_18 : i32
    %add3A_20 = arith.constant 0 : i32
    %add3A_21 = arith.addi %mul3A_19, %add3A_20 : i32
    "tpu.region"() ({
      %run_scoped3A = tpu.sem_alloc : memref<!tpu.dma_semaphore, #tpu.memory_space<semaphore_mem>>
      %dma_start3A = arith.constant 0 : i32
      %dma_start3A_88 = tpu.memref_slice %arg17[%add3A_21, %dma_start3A] : memref<10240x16xf32, #tpu.memory_space<vmem_shared>> -> memref<128x16xf32, #tpu.memory_space<vmem_shared>>
      %dma_start3A_89 = arith.constant 0 : i32
      %dma_start3A_90 = tpu.memref_slice %arg17[%add3A_21, %dma_start3A_89] : memref<10240x16xf32, #tpu.memory_space<vmem_shared>> -> memref<128x16xf32, #tpu.memory_space<vmem_shared>>
      tpu.enqueue_dma source(%arg16 : memref<128x16xf32, #tpu.memory_space<vmem>>) target(%dma_start3A_90 : memref<128x16xf32, #tpu.memory_space<vmem_shared>>) target_semaphore(%run_scoped3A : memref<!tpu.dma_semaphore, #tpu.memory_space<semaphore_mem>>)
      %dma_wait3A = arith.constant 0 : i32
      %dma_wait3A_91 = tpu.memref_slice %arg17[%add3A_21, %dma_wait3A] : memref<10240x16xf32, #tpu.memory_space<vmem_shared>> -> memref<128x16xf32, #tpu.memory_space<vmem_shared>>
      %dma_wait3A_92 = arith.constant 0 : i32
      %dma_wait3A_93 = tpu.memref_slice %arg17[%add3A_21, %dma_wait3A_92] : memref<10240x16xf32, #tpu.memory_space<vmem_shared>> -> memref<128x16xf32, #tpu.memory_space<vmem_shared>>
      tpu.wait_dma2 semaphore(%run_scoped3A : memref<!tpu.dma_semaphore, #tpu.memory_space<semaphore_mem>>) src(%arg16 : memref<128x16xf32, #tpu.memory_space<vmem>>) dst(%dma_wait3A_93 : memref<128x16xf32, #tpu.memory_space<vmem_shared>>)
      tpu.yield
    }) : () -> ()
    %mul3A_22 = arith.constant 640 : i32
    %mul3A_23 = arith.muli %arg1, %mul3A_22 : i32
    %add3A_24 = arith.constant 128 : i32
    %add3A_25 = arith.addi %mul3A_23, %add3A_24 : i32
    "tpu.region"() ({
      %run_scoped3A = tpu.sem_alloc : memref<!tpu.dma_semaphore, #tpu.memory_space<semaphore_mem>>
      %dma_start3A = arith.constant 0 : i32
      %dma_start3A_88 = tpu.memref_slice %arg17[%add3A_25, %dma_start3A] : memref<10240x16xf32, #tpu.memory_space<vmem_shared>> -> memref<128x16xf32, #tpu.memory_space<vmem_shared>>
      %dma_start3A_89 = arith.constant 0 : i32
      %dma_start3A_90 = tpu.memref_slice %arg17[%add3A_25, %dma_start3A_89] : memref<10240x16xf32, #tpu.memory_space<vmem_shared>> -> memref<128x16xf32, #tpu.memory_space<vmem_shared>>
      tpu.enqueue_dma source(%arg16 : memref<128x16xf32, #tpu.memory_space<vmem>>) target(%dma_start3A_90 : memref<128x16xf32, #tpu.memory_space<vmem_shared>>) target_semaphore(%run_scoped3A : memref<!tpu.dma_semaphore, #tpu.memory_space<semaphore_mem>>)
      %dma_wait3A = arith.constant 0 : i32
      %dma_wait3A_91 = tpu.memref_slice %arg17[%add3A_25, %dma_wait3A] : memref<10240x16xf32, #tpu.memory_space<vmem_shared>> -> memref<128x16xf32, #tpu.memory_space<vmem_shared>>
      %dma_wait3A_92 = arith.constant 0 : i32
      %dma_wait3A_93 = tpu.memref_slice %arg17[%add3A_25, %dma_wait3A_92] : memref<10240x16xf32, #tpu.memory_space<vmem_shared>> -> memref<128x16xf32, #tpu.memory_space<vmem_shared>>
      tpu.wait_dma2 semaphore(%run_scoped3A : memref<!tpu.dma_semaphore, #tpu.memory_space<semaphore_mem>>) src(%arg16 : memref<128x16xf32, #tpu.memory_space<vmem>>) dst(%dma_wait3A_93 : memref<128x16xf32, #tpu.memory_space<vmem_shared>>)
      tpu.yield
    }) : () -> ()
    %mul3A_26 = arith.constant 640 : i32
    %mul3A_27 = arith.muli %arg1, %mul3A_26 : i32
    %add3A_28 = arith.constant 256 : i32
    %add3A_29 = arith.addi %mul3A_27, %add3A_28 : i32
    "tpu.region"() ({
      %run_scoped3A = tpu.sem_alloc : memref<!tpu.dma_semaphore, #tpu.memory_space<semaphore_mem>>
      %dma_start3A = arith.constant 0 : i32
      %dma_start3A_88 = tpu.memref_slice %arg17[%add3A_29, %dma_start3A] : memref<10240x16xf32, #tpu.memory_space<vmem_shared>> -> memref<128x16xf32, #tpu.memory_space<vmem_shared>>
      %dma_start3A_89 = arith.constant 0 : i32
      %dma_start3A_90 = tpu.memref_slice %arg17[%add3A_29, %dma_start3A_89] : memref<10240x16xf32, #tpu.memory_space<vmem_shared>> -> memref<128x16xf32, #tpu.memory_space<vmem_shared>>
      tpu.enqueue_dma source(%arg16 : memref<128x16xf32, #tpu.memory_space<vmem>>) target(%dma_start3A_90 : memref<128x16xf32, #tpu.memory_space<vmem_shared>>) target_semaphore(%run_scoped3A : memref<!tpu.dma_semaphore, #tpu.memory_space<semaphore_mem>>)
      %dma_wait3A = arith.constant 0 : i32
      %dma_wait3A_91 = tpu.memref_slice %arg17[%add3A_29, %dma_wait3A] : memref<10240x16xf32, #tpu.memory_space<vmem_shared>> -> memref<128x16xf32, #tpu.memory_space<vmem_shared>>
      %dma_wait3A_92 = arith.constant 0 : i32
      %dma_wait3A_93 = tpu.memref_slice %arg17[%add3A_29, %dma_wait3A_92] : memref<10240x16xf32, #tpu.memory_space<vmem_shared>> -> memref<128x16xf32, #tpu.memory_space<vmem_shared>>
      tpu.wait_dma2 semaphore(%run_scoped3A : memref<!tpu.dma_semaphore, #tpu.memory_space<semaphore_mem>>) src(%arg16 : memref<128x16xf32, #tpu.memory_space<vmem>>) dst(%dma_wait3A_93 : memref<128x16xf32, #tpu.memory_space<vmem_shared>>)
      tpu.yield
    }) : () -> ()
    %mul3A_30 = arith.constant 640 : i32
    %mul3A_31 = arith.muli %arg1, %mul3A_30 : i32
    %add3A_32 = arith.constant 384 : i32
    %add3A_33 = arith.addi %mul3A_31, %add3A_32 : i32
    "tpu.region"() ({
      %run_scoped3A = tpu.sem_alloc : memref<!tpu.dma_semaphore, #tpu.memory_space<semaphore_mem>>
      %dma_start3A = arith.constant 0 : i32
      %dma_start3A_88 = tpu.memref_slice %arg17[%add3A_33, %dma_start3A] : memref<10240x16xf32, #tpu.memory_space<vmem_shared>> -> memref<128x16xf32, #tpu.memory_space<vmem_shared>>
      %dma_start3A_89 = arith.constant 0 : i32
      %dma_start3A_90 = tpu.memref_slice %arg17[%add3A_33, %dma_start3A_89] : memref<10240x16xf32, #tpu.memory_space<vmem_shared>> -> memref<128x16xf32, #tpu.memory_space<vmem_shared>>
      tpu.enqueue_dma source(%arg16 : memref<128x16xf32, #tpu.memory_space<vmem>>) target(%dma_start3A_90 : memref<128x16xf32, #tpu.memory_space<vmem_shared>>) target_semaphore(%run_scoped3A : memref<!tpu.dma_semaphore, #tpu.memory_space<semaphore_mem>>)
      %dma_wait3A = arith.constant 0 : i32
      %dma_wait3A_91 = tpu.memref_slice %arg17[%add3A_33, %dma_wait3A] : memref<10240x16xf32, #tpu.memory_space<vmem_shared>> -> memref<128x16xf32, #tpu.memory_space<vmem_shared>>
      %dma_wait3A_92 = arith.constant 0 : i32
      %dma_wait3A_93 = tpu.memref_slice %arg17[%add3A_33, %dma_wait3A_92] : memref<10240x16xf32, #tpu.memory_space<vmem_shared>> -> memref<128x16xf32, #tpu.memory_space<vmem_shared>>
      tpu.wait_dma2 semaphore(%run_scoped3A : memref<!tpu.dma_semaphore, #tpu.memory_space<semaphore_mem>>) src(%arg16 : memref<128x16xf32, #tpu.memory_space<vmem>>) dst(%dma_wait3A_93 : memref<128x16xf32, #tpu.memory_space<vmem_shared>>)
      tpu.yield
    }) : () -> ()
    %mul3A_34 = arith.constant 640 : i32
    %mul3A_35 = arith.muli %arg1, %mul3A_34 : i32
    %add3A_36 = arith.constant 512 : i32
    %add3A_37 = arith.addi %mul3A_35, %add3A_36 : i32
    "tpu.region"() ({
      %run_scoped3A = tpu.sem_alloc : memref<!tpu.dma_semaphore, #tpu.memory_space<semaphore_mem>>
      %dma_start3A = arith.constant 0 : i32
      %dma_start3A_88 = tpu.memref_slice %arg17[%add3A_37, %dma_start3A] : memref<10240x16xf32, #tpu.memory_space<vmem_shared>> -> memref<128x16xf32, #tpu.memory_space<vmem_shared>>
      %dma_start3A_89 = arith.constant 0 : i32
      %dma_start3A_90 = tpu.memref_slice %arg17[%add3A_37, %dma_start3A_89] : memref<10240x16xf32, #tpu.memory_space<vmem_shared>> -> memref<128x16xf32, #tpu.memory_space<vmem_shared>>
      tpu.enqueue_dma source(%arg16 : memref<128x16xf32, #tpu.memory_space<vmem>>) target(%dma_start3A_90 : memref<128x16xf32, #tpu.memory_space<vmem_shared>>) target_semaphore(%run_scoped3A : memref<!tpu.dma_semaphore, #tpu.memory_space<semaphore_mem>>)
      %dma_wait3A = arith.constant 0 : i32
      %dma_wait3A_91 = tpu.memref_slice %arg17[%add3A_37, %dma_wait3A] : memref<10240x16xf32, #tpu.memory_space<vmem_shared>> -> memref<128x16xf32, #tpu.memory_space<vmem_shared>>
      %dma_wait3A_92 = arith.constant 0 : i32
      %dma_wait3A_93 = tpu.memref_slice %arg17[%add3A_37, %dma_wait3A_92] : memref<10240x16xf32, #tpu.memory_space<vmem_shared>> -> memref<128x16xf32, #tpu.memory_space<vmem_shared>>
      tpu.wait_dma2 semaphore(%run_scoped3A : memref<!tpu.dma_semaphore, #tpu.memory_space<semaphore_mem>>) src(%arg16 : memref<128x16xf32, #tpu.memory_space<vmem>>) dst(%dma_wait3A_93 : memref<128x16xf32, #tpu.memory_space<vmem_shared>>)
      tpu.yield
    }) : () -> ()
    %barrier3A = arith.constant 0 : index
    tpu.barrier barrier_id(%barrier3A)
    %mul3A_38 = arith.constant 20096 : i32
    %mul3A_39 = arith.muli %arg1, %mul3A_38 : i32
    %scan3A = arith.constant 0 : i32
    %scan3A_40 = arith.constant 0 : i32
    %scan3A_41 = arith.constant 157 : i32
    %scan3A_42 = arith.addi %scan3A_40, %scan3A_41 : i32
    %scan3A_43 = arith.constant 1 : i32
    scf.for %scan3A_88 = %scan3A_40 to %scan3A_42 step %scan3A_43  : i32 {
      %mul3A_89 = arith.constant 128 : i32
      %mul3A_90 = arith.muli %scan3A_88, %mul3A_89 : i32
      %add3A_91 = arith.addi %mul3A_39, %mul3A_90 : i32
      "tpu.region"() ({
        %run_scoped3A = tpu.sem_alloc : memref<!tpu.dma_semaphore, #tpu.memory_space<semaphore_mem>>
        %dma_start3A_101 = tpu.memref_slice %arg3[%arg0, %add3A_91] : memref<2x321536xi32, #tpu.memory_space<hbm>> -> memref<1x128xi32, #tpu.memory_space<hbm>>
        %dma_start3A_102 = tpu.memref_squeeze %dma_start3A_101 : memref<1x128xi32, #tpu.memory_space<hbm>> -> memref<128xi32, #tpu.memory_space<hbm>>
        %dma_start3A_103 = tpu.memref_slice %arg3[%arg0, %add3A_91] : memref<2x321536xi32, #tpu.memory_space<hbm>> -> memref<1x128xi32, #tpu.memory_space<hbm>>
        %dma_start3A_104 = tpu.memref_squeeze %dma_start3A_103 : memref<1x128xi32, #tpu.memory_space<hbm>> -> memref<128xi32, #tpu.memory_space<hbm>>
        tpu.enqueue_dma source(%dma_start3A_104 : memref<128xi32, #tpu.memory_space<hbm>>) target(%arg9 : memref<128xi32, #tpu.memory_space<vmem>>) target_semaphore(%run_scoped3A : memref<!tpu.dma_semaphore, #tpu.memory_space<semaphore_mem>>)
        %dma_wait3A_105 = tpu.memref_slice %arg3[%arg0, %add3A_91] : memref<2x321536xi32, #tpu.memory_space<hbm>> -> memref<1x128xi32, #tpu.memory_space<hbm>>
        %dma_wait3A_106 = tpu.memref_squeeze %dma_wait3A_105 : memref<1x128xi32, #tpu.memory_space<hbm>> -> memref<128xi32, #tpu.memory_space<hbm>>
        %dma_wait3A_107 = tpu.memref_slice %arg3[%arg0, %add3A_91] : memref<2x321536xi32, #tpu.memory_space<hbm>> -> memref<1x128xi32, #tpu.memory_space<hbm>>
        %dma_wait3A_108 = tpu.memref_squeeze %dma_wait3A_107 : memref<1x128xi32, #tpu.memory_space<hbm>> -> memref<128xi32, #tpu.memory_space<hbm>>
        tpu.wait_dma2 semaphore(%run_scoped3A : memref<!tpu.dma_semaphore, #tpu.memory_space<semaphore_mem>>) src(%dma_wait3A_108 : memref<128xi32, #tpu.memory_space<hbm>>) dst(%arg9 : memref<128xi32, #tpu.memory_space<vmem>>)
        tpu.yield
      }) : () -> ()
      "tpu.region"() ({
        %run_scoped3A = tpu.sem_alloc : memref<!tpu.dma_semaphore, #tpu.memory_space<semaphore_mem>>
        %dma_start3A_101 = tpu.memref_slice %arg4[%add3A_91] : memref<321536xi32, #tpu.memory_space<hbm>> -> memref<128xi32, #tpu.memory_space<hbm>>
        %dma_start3A_102 = tpu.memref_slice %arg4[%add3A_91] : memref<321536xi32, #tpu.memory_space<hbm>> -> memref<128xi32, #tpu.memory_space<hbm>>
        tpu.enqueue_dma source(%dma_start3A_102 : memref<128xi32, #tpu.memory_space<hbm>>) target(%arg10 : memref<128xi32, #tpu.memory_space<vmem>>) target_semaphore(%run_scoped3A : memref<!tpu.dma_semaphore, #tpu.memory_space<semaphore_mem>>)
        %dma_wait3A_103 = tpu.memref_slice %arg4[%add3A_91] : memref<321536xi32, #tpu.memory_space<hbm>> -> memref<128xi32, #tpu.memory_space<hbm>>
        %dma_wait3A_104 = tpu.memref_slice %arg4[%add3A_91] : memref<321536xi32, #tpu.memory_space<hbm>> -> memref<128xi32, #tpu.memory_space<hbm>>
        tpu.wait_dma2 semaphore(%run_scoped3A : memref<!tpu.dma_semaphore, #tpu.memory_space<semaphore_mem>>) src(%dma_wait3A_104 : memref<128xi32, #tpu.memory_space<hbm>>) dst(%arg10 : memref<128xi32, #tpu.memory_space<vmem>>)
        tpu.yield
      }) : () -> ()
      %dma_start3A = arith.constant 0 : i32
      %dma_start3A_92 = arith.constant 0 : i32
      %dma_start3A_93 = tpu.memref_slice %arg2[%dma_start3A, %dma_start3A_92] : memref<20480x64xf32, #tpu.memory_space<hbm>> -> memref<20480x64xf32, #tpu.memory_space<hbm>>
      tpu.enqueue_indirect_dma source(%dma_start3A_93 : memref<20480x64xf32, #tpu.memory_space<hbm>>) target(%arg11 : memref<128x64xf32, #tpu.memory_space<vmem>>) offsets(%arg9 : memref<128xi32, #tpu.memory_space<vmem>>) semaphore(%arg13 : memref<!tpu.dma_semaphore, #tpu.memory_space<semaphore_mem>>)
      %eq3A_94 = arith.constant 0 : i32
      %eq3A_95 = arith.cmpi eq, %arg0, %eq3A_94 : i32
      %convert_element_type3A_96 = arith.extui %eq3A_95 : i1 to i32
      %cond3A_97 = arith.constant 0 : i32
      %cond3A_98 = arith.cmpi ne, %convert_element_type3A_96, %cond3A_97 : i32
      scf.if %cond3A_98 {
        "tpu.region"() ({
          %run_scoped3A = tpu.sem_alloc : memref<!tpu.dma_semaphore, #tpu.memory_space<semaphore_mem>>
          %dma_start3A_101 = arith.constant 0 : i32
          %dma_start3A_102 = arith.constant 0 : i32
          %dma_start3A_103 = tpu.memref_slice %arg17[%dma_start3A_101, %dma_start3A_102] : memref<10240x16xf32, #tpu.memory_space<vmem_shared>> -> memref<10240x16xf32, #tpu.memory_space<vmem_shared>>
          tpu.enqueue_indirect_dma source(%arg15 : memref<128x16xf32, #tpu.memory_space<vmem>>) target(%dma_start3A_103 : memref<10240x16xf32, #tpu.memory_space<vmem_shared>>) offsets(%arg10 : memref<128xi32, #tpu.memory_space<vmem>>) semaphore(%run_scoped3A : memref<!tpu.dma_semaphore, #tpu.memory_space<semaphore_mem>>) {add = true}
          %dma_wait3A_104 = arith.constant 0 : i32
          %dma_wait3A_105 = arith.constant 0 : i32
          %dma_wait3A_106 = tpu.memref_slice %arg17[%dma_wait3A_104, %dma_wait3A_105] : memref<10240x16xf32, #tpu.memory_space<vmem_shared>> -> memref<10240x16xf32, #tpu.memory_space<vmem_shared>>
          tpu.wait_indirect_dma semaphore(%run_scoped3A : memref<!tpu.dma_semaphore, #tpu.memory_space<semaphore_mem>>) src(%arg15 : memref<128x16xf32, #tpu.memory_space<vmem>>) dst(%dma_wait3A_106 : memref<10240x16xf32, #tpu.memory_space<vmem_shared>>)
          tpu.yield
        }) : () -> ()
      } else {
      }
      %dma_wait3A = arith.constant 0 : i32
      %dma_wait3A_99 = arith.constant 0 : i32
      %dma_wait3A_100 = tpu.memref_slice %arg2[%dma_wait3A, %dma_wait3A_99] : memref<20480x64xf32, #tpu.memory_space<hbm>> -> memref<20480x64xf32, #tpu.memory_space<hbm>>
      tpu.wait_indirect_dma semaphore(%arg13 : memref<!tpu.dma_semaphore, #tpu.memory_space<semaphore_mem>>) src(%dma_wait3A_100 : memref<20480x64xf32, #tpu.memory_space<hbm>>) dst(%arg11 : memref<128x64xf32, #tpu.memory_space<vmem>>)
      "tpu.region"() ({
        %run_scoped3A = tpu.sem_alloc : memref<!tpu.dma_semaphore, #tpu.memory_space<semaphore_mem>>
        %dma_start3A_101 = arith.constant 0 : i32
        %dma_start3A_102 = arith.constant 0 : i32
        %dma_start3A_103 = tpu.memref_slice %arg14[%dma_start3A_101, %dma_start3A_102] : memref<10240x64xf32, #tpu.memory_space<vmem_shared>> -> memref<10240x64xf32, #tpu.memory_space<vmem_shared>>
        tpu.enqueue_indirect_dma source(%arg11 : memref<128x64xf32, #tpu.memory_space<vmem>>) target(%dma_start3A_103 : memref<10240x64xf32, #tpu.memory_space<vmem_shared>>) offsets(%arg10 : memref<128xi32, #tpu.memory_space<vmem>>) semaphore(%run_scoped3A : memref<!tpu.dma_semaphore, #tpu.memory_space<semaphore_mem>>) {add = true}
        %dma_wait3A_104 = arith.constant 0 : i32
        %dma_wait3A_105 = arith.constant 0 : i32
        %dma_wait3A_106 = tpu.memref_slice %arg14[%dma_wait3A_104, %dma_wait3A_105] : memref<10240x64xf32, #tpu.memory_space<vmem_shared>> -> memref<10240x64xf32, #tpu.memory_space<vmem_shared>>
        tpu.wait_indirect_dma semaphore(%run_scoped3A : memref<!tpu.dma_semaphore, #tpu.memory_space<semaphore_mem>>) src(%arg11 : memref<128x64xf32, #tpu.memory_space<vmem>>) dst(%dma_wait3A_106 : memref<10240x64xf32, #tpu.memory_space<vmem_shared>>)
        tpu.yield
      }) : () -> ()
    }
    %scan3A_44 = arith.constant 157 : i32
    %barrier3A_45 = arith.constant 0 : index
    tpu.barrier barrier_id(%barrier3A_45)
    %mul3A_46 = arith.constant 640 : i32
    %mul3A_47 = arith.muli %arg1, %mul3A_46 : i32
    %add3A_48 = arith.constant 0 : i32
    %add3A_49 = arith.addi %mul3A_47, %add3A_48 : i32
    "tpu.region"() ({
      %run_scoped3A = tpu.sem_alloc : memref<!tpu.dma_semaphore, #tpu.memory_space<semaphore_mem>>
      %dma_start3A = arith.constant 0 : i32
      %dma_start3A_88 = tpu.memref_slice %arg14[%add3A_49, %dma_start3A] : memref<10240x64xf32, #tpu.memory_space<vmem_shared>> -> memref<128x64xf32, #tpu.memory_space<vmem_shared>>
      %dma_start3A_89 = arith.constant 0 : i32
      %dma_start3A_90 = tpu.memref_slice %arg14[%add3A_49, %dma_start3A_89] : memref<10240x64xf32, #tpu.memory_space<vmem_shared>> -> memref<128x64xf32, #tpu.memory_space<vmem_shared>>
      tpu.enqueue_dma source(%dma_start3A_90 : memref<128x64xf32, #tpu.memory_space<vmem_shared>>) target(%arg11 : memref<128x64xf32, #tpu.memory_space<vmem>>) target_semaphore(%run_scoped3A : memref<!tpu.dma_semaphore, #tpu.memory_space<semaphore_mem>>)
      %dma_wait3A = arith.constant 0 : i32
      %dma_wait3A_91 = tpu.memref_slice %arg14[%add3A_49, %dma_wait3A] : memref<10240x64xf32, #tpu.memory_space<vmem_shared>> -> memref<128x64xf32, #tpu.memory_space<vmem_shared>>
      %dma_wait3A_92 = arith.constant 0 : i32
      %dma_wait3A_93 = tpu.memref_slice %arg14[%add3A_49, %dma_wait3A_92] : memref<10240x64xf32, #tpu.memory_space<vmem_shared>> -> memref<128x64xf32, #tpu.memory_space<vmem_shared>>
      tpu.wait_dma2 semaphore(%run_scoped3A : memref<!tpu.dma_semaphore, #tpu.memory_space<semaphore_mem>>) src(%dma_wait3A_93 : memref<128x64xf32, #tpu.memory_space<vmem_shared>>) dst(%arg11 : memref<128x64xf32, #tpu.memory_space<vmem>>)
      tpu.yield
    }) : () -> ()
    %mul3A_50 = arith.constant 640 : i32
    %mul3A_51 = arith.muli %arg1, %mul3A_50 : i32
    %add3A_52 = arith.constant 0 : i32
    %add3A_53 = arith.addi %mul3A_51, %add3A_52 : i32
    "tpu.region"() ({
      %run_scoped3A = tpu.sem_alloc : memref<!tpu.dma_semaphore, #tpu.memory_space<semaphore_mem>>
      %dma_start3A = arith.constant 0 : i32
      %dma_start3A_88 = tpu.memref_slice %arg7[%arg0, %add3A_53, %dma_start3A] : memref<2x10240x64xf32, #tpu.memory_space<hbm>> -> memref<1x128x64xf32, #tpu.memory_space<hbm>>
      %dma_start3A_89 = tpu.memref_squeeze %dma_start3A_88 : memref<1x128x64xf32, #tpu.memory_space<hbm>> -> memref<128x64xf32, #tpu.memory_space<hbm>>
      %dma_start3A_90 = arith.constant 0 : i32
      %dma_start3A_91 = tpu.memref_slice %arg7[%arg0, %add3A_53, %dma_start3A_90] : memref<2x10240x64xf32, #tpu.memory_space<hbm>> -> memref<1x128x64xf32, #tpu.memory_space<hbm>>
      %dma_start3A_92 = tpu.memref_squeeze %dma_start3A_91 : memref<1x128x64xf32, #tpu.memory_space<hbm>> -> memref<128x64xf32, #tpu.memory_space<hbm>>
      tpu.enqueue_dma source(%arg11 : memref<128x64xf32, #tpu.memory_space<vmem>>) target(%dma_start3A_92 : memref<128x64xf32, #tpu.memory_space<hbm>>) target_semaphore(%run_scoped3A : memref<!tpu.dma_semaphore, #tpu.memory_space<semaphore_mem>>)
      %dma_wait3A = arith.constant 0 : i32
      %dma_wait3A_93 = tpu.memref_slice %arg7[%arg0, %add3A_53, %dma_wait3A] : memref<2x10240x64xf32, #tpu.memory_space<hbm>> -> memref<1x128x64xf32, #tpu.memory_space<hbm>>
      %dma_wait3A_94 = tpu.memref_squeeze %dma_wait3A_93 : memref<1x128x64xf32, #tpu.memory_space<hbm>> -> memref<128x64xf32, #tpu.memory_space<hbm>>
      %dma_wait3A_95 = arith.constant 0 : i32
      %dma_wait3A_96 = tpu.memref_slice %arg7[%arg0, %add3A_53, %dma_wait3A_95] : memref<2x10240x64xf32, #tpu.memory_space<hbm>> -> memref<1x128x64xf32, #tpu.memory_space<hbm>>
      %dma_wait3A_97 = tpu.memref_squeeze %dma_wait3A_96 : memref<1x128x64xf32, #tpu.memory_space<hbm>> -> memref<128x64xf32, #tpu.memory_space<hbm>>
      tpu.wait_dma2 semaphore(%run_scoped3A : memref<!tpu.dma_semaphore, #tpu.memory_space<semaphore_mem>>) src(%arg11 : memref<128x64xf32, #tpu.memory_space<vmem>>) dst(%dma_wait3A_97 : memref<128x64xf32, #tpu.memory_space<hbm>>)
      tpu.yield
    }) : () -> ()
    %mul3A_54 = arith.constant 640 : i32
    %mul3A_55 = arith.muli %arg1, %mul3A_54 : i32
    %add3A_56 = arith.constant 128 : i32
    %add3A_57 = arith.addi %mul3A_55, %add3A_56 : i32
    "tpu.region"() ({
      %run_scoped3A = tpu.sem_alloc : memref<!tpu.dma_semaphore, #tpu.memory_space<semaphore_mem>>
      %dma_start3A = arith.constant 0 : i32
      %dma_start3A_88 = tpu.memref_slice %arg14[%add3A_57, %dma_start3A] : memref<10240x64xf32, #tpu.memory_space<vmem_shared>> -> memref<128x64xf32, #tpu.memory_space<vmem_shared>>
      %dma_start3A_89 = arith.constant 0 : i32
      %dma_start3A_90 = tpu.memref_slice %arg14[%add3A_57, %dma_start3A_89] : memref<10240x64xf32, #tpu.memory_space<vmem_shared>> -> memref<128x64xf32, #tpu.memory_space<vmem_shared>>
      tpu.enqueue_dma source(%dma_start3A_90 : memref<128x64xf32, #tpu.memory_space<vmem_shared>>) target(%arg11 : memref<128x64xf32, #tpu.memory_space<vmem>>) target_semaphore(%run_scoped3A : memref<!tpu.dma_semaphore, #tpu.memory_space<semaphore_mem>>)
      %dma_wait3A = arith.constant 0 : i32
      %dma_wait3A_91 = tpu.memref_slice %arg14[%add3A_57, %dma_wait3A] : memref<10240x64xf32, #tpu.memory_space<vmem_shared>> -> memref<128x64xf32, #tpu.memory_space<vmem_shared>>
      %dma_wait3A_92 = arith.constant 0 : i32
      %dma_wait3A_93 = tpu.memref_slice %arg14[%add3A_57, %dma_wait3A_92] : memref<10240x64xf32, #tpu.memory_space<vmem_shared>> -> memref<128x64xf32, #tpu.memory_space<vmem_shared>>
      tpu.wait_dma2 semaphore(%run_scoped3A : memref<!tpu.dma_semaphore, #tpu.memory_space<semaphore_mem>>) src(%dma_wait3A_93 : memref<128x64xf32, #tpu.memory_space<vmem_shared>>) dst(%arg11 : memref<128x64xf32, #tpu.memory_space<vmem>>)
      tpu.yield
    }) : () -> ()
    %mul3A_58 = arith.constant 640 : i32
    %mul3A_59 = arith.muli %arg1, %mul3A_58 : i32
    %add3A_60 = arith.constant 128 : i32
    %add3A_61 = arith.addi %mul3A_59, %add3A_60 : i32
    "tpu.region"() ({
      %run_scoped3A = tpu.sem_alloc : memref<!tpu.dma_semaphore, #tpu.memory_space<semaphore_mem>>
      %dma_start3A = arith.constant 0 : i32
      %dma_start3A_88 = tpu.memref_slice %arg7[%arg0, %add3A_61, %dma_start3A] : memref<2x10240x64xf32, #tpu.memory_space<hbm>> -> memref<1x128x64xf32, #tpu.memory_space<hbm>>
      %dma_start3A_89 = tpu.memref_squeeze %dma_start3A_88 : memref<1x128x64xf32, #tpu.memory_space<hbm>> -> memref<128x64xf32, #tpu.memory_space<hbm>>
      %dma_start3A_90 = arith.constant 0 : i32
      %dma_start3A_91 = tpu.memref_slice %arg7[%arg0, %add3A_61, %dma_start3A_90] : memref<2x10240x64xf32, #tpu.memory_space<hbm>> -> memref<1x128x64xf32, #tpu.memory_space<hbm>>
      %dma_start3A_92 = tpu.memref_squeeze %dma_start3A_91 : memref<1x128x64xf32, #tpu.memory_space<hbm>> -> memref<128x64xf32, #tpu.memory_space<hbm>>
      tpu.enqueue_dma source(%arg11 : memref<128x64xf32, #tpu.memory_space<vmem>>) target(%dma_start3A_92 : memref<128x64xf32, #tpu.memory_space<hbm>>) target_semaphore(%run_scoped3A : memref<!tpu.dma_semaphore, #tpu.memory_space<semaphore_mem>>)
      %dma_wait3A = arith.constant 0 : i32
      %dma_wait3A_93 = tpu.memref_slice %arg7[%arg0, %add3A_61, %dma_wait3A] : memref<2x10240x64xf32, #tpu.memory_space<hbm>> -> memref<1x128x64xf32, #tpu.memory_space<hbm>>
      %dma_wait3A_94 = tpu.memref_squeeze %dma_wait3A_93 : memref<1x128x64xf32, #tpu.memory_space<hbm>> -> memref<128x64xf32, #tpu.memory_space<hbm>>
      %dma_wait3A_95 = arith.constant 0 : i32
      %dma_wait3A_96 = tpu.memref_slice %arg7[%arg0, %add3A_61, %dma_wait3A_95] : memref<2x10240x64xf32, #tpu.memory_space<hbm>> -> memref<1x128x64xf32, #tpu.memory_space<hbm>>
      %dma_wait3A_97 = tpu.memref_squeeze %dma_wait3A_96 : memref<1x128x64xf32, #tpu.memory_space<hbm>> -> memref<128x64xf32, #tpu.memory_space<hbm>>
      tpu.wait_dma2 semaphore(%run_scoped3A : memref<!tpu.dma_semaphore, #tpu.memory_space<semaphore_mem>>) src(%arg11 : memref<128x64xf32, #tpu.memory_space<vmem>>) dst(%dma_wait3A_97 : memref<128x64xf32, #tpu.memory_space<hbm>>)
      tpu.yield
    }) : () -> ()
    %mul3A_62 = arith.constant 640 : i32
    %mul3A_63 = arith.muli %arg1, %mul3A_62 : i32
    %add3A_64 = arith.constant 256 : i32
    %add3A_65 = arith.addi %mul3A_63, %add3A_64 : i32
    "tpu.region"() ({
      %run_scoped3A = tpu.sem_alloc : memref<!tpu.dma_semaphore, #tpu.memory_space<semaphore_mem>>
      %dma_start3A = arith.constant 0 : i32
      %dma_start3A_88 = tpu.memref_slice %arg14[%add3A_65, %dma_start3A] : memref<10240x64xf32, #tpu.memory_space<vmem_shared>> -> memref<128x64xf32, #tpu.memory_space<vmem_shared>>
      %dma_start3A_89 = arith.constant 0 : i32
      %dma_start3A_90 = tpu.memref_slice %arg14[%add3A_65, %dma_start3A_89] : memref<10240x64xf32, #tpu.memory_space<vmem_shared>> -> memref<128x64xf32, #tpu.memory_space<vmem_shared>>
      tpu.enqueue_dma source(%dma_start3A_90 : memref<128x64xf32, #tpu.memory_space<vmem_shared>>) target(%arg11 : memref<128x64xf32, #tpu.memory_space<vmem>>) target_semaphore(%run_scoped3A : memref<!tpu.dma_semaphore, #tpu.memory_space<semaphore_mem>>)
      %dma_wait3A = arith.constant 0 : i32
      %dma_wait3A_91 = tpu.memref_slice %arg14[%add3A_65, %dma_wait3A] : memref<10240x64xf32, #tpu.memory_space<vmem_shared>> -> memref<128x64xf32, #tpu.memory_space<vmem_shared>>
      %dma_wait3A_92 = arith.constant 0 : i32
      %dma_wait3A_93 = tpu.memref_slice %arg14[%add3A_65, %dma_wait3A_92] : memref<10240x64xf32, #tpu.memory_space<vmem_shared>> -> memref<128x64xf32, #tpu.memory_space<vmem_shared>>
      tpu.wait_dma2 semaphore(%run_scoped3A : memref<!tpu.dma_semaphore, #tpu.memory_space<semaphore_mem>>) src(%dma_wait3A_93 : memref<128x64xf32, #tpu.memory_space<vmem_shared>>) dst(%arg11 : memref<128x64xf32, #tpu.memory_space<vmem>>)
      tpu.yield
    }) : () -> ()
    %mul3A_66 = arith.constant 640 : i32
    %mul3A_67 = arith.muli %arg1, %mul3A_66 : i32
    %add3A_68 = arith.constant 256 : i32
    %add3A_69 = arith.addi %mul3A_67, %add3A_68 : i32
    "tpu.region"() ({
      %run_scoped3A = tpu.sem_alloc : memref<!tpu.dma_semaphore, #tpu.memory_space<semaphore_mem>>
      %dma_start3A = arith.constant 0 : i32
      %dma_start3A_88 = tpu.memref_slice %arg7[%arg0, %add3A_69, %dma_start3A] : memref<2x10240x64xf32, #tpu.memory_space<hbm>> -> memref<1x128x64xf32, #tpu.memory_space<hbm>>
      %dma_start3A_89 = tpu.memref_squeeze %dma_start3A_88 : memref<1x128x64xf32, #tpu.memory_space<hbm>> -> memref<128x64xf32, #tpu.memory_space<hbm>>
      %dma_start3A_90 = arith.constant 0 : i32
      %dma_start3A_91 = tpu.memref_slice %arg7[%arg0, %add3A_69, %dma_start3A_90] : memref<2x10240x64xf32, #tpu.memory_space<hbm>> -> memref<1x128x64xf32, #tpu.memory_space<hbm>>
      %dma_start3A_92 = tpu.memref_squeeze %dma_start3A_91 : memref<1x128x64xf32, #tpu.memory_space<hbm>> -> memref<128x64xf32, #tpu.memory_space<hbm>>
      tpu.enqueue_dma source(%arg11 : memref<128x64xf32, #tpu.memory_space<vmem>>) target(%dma_start3A_92 : memref<128x64xf32, #tpu.memory_space<hbm>>) target_semaphore(%run_scoped3A : memref<!tpu.dma_semaphore, #tpu.memory_space<semaphore_mem>>)
      %dma_wait3A = arith.constant 0 : i32
      %dma_wait3A_93 = tpu.memref_slice %arg7[%arg0, %add3A_69, %dma_wait3A] : memref<2x10240x64xf32, #tpu.memory_space<hbm>> -> memref<1x128x64xf32, #tpu.memory_space<hbm>>
      %dma_wait3A_94 = tpu.memref_squeeze %dma_wait3A_93 : memref<1x128x64xf32, #tpu.memory_space<hbm>> -> memref<128x64xf32, #tpu.memory_space<hbm>>
      %dma_wait3A_95 = arith.constant 0 : i32
      %dma_wait3A_96 = tpu.memref_slice %arg7[%arg0, %add3A_69, %dma_wait3A_95] : memref<2x10240x64xf32, #tpu.memory_space<hbm>> -> memref<1x128x64xf32, #tpu.memory_space<hbm>>
      %dma_wait3A_97 = tpu.memref_squeeze %dma_wait3A_96 : memref<1x128x64xf32, #tpu.memory_space<hbm>> -> memref<128x64xf32, #tpu.memory_space<hbm>>
      tpu.wait_dma2 semaphore(%run_scoped3A : memref<!tpu.dma_semaphore, #tpu.memory_space<semaphore_mem>>) src(%arg11 : memref<128x64xf32, #tpu.memory_space<vmem>>) dst(%dma_wait3A_97 : memref<128x64xf32, #tpu.memory_space<hbm>>)
      tpu.yield
    }) : () -> ()
    %mul3A_70 = arith.constant 640 : i32
    %mul3A_71 = arith.muli %arg1, %mul3A_70 : i32
    %add3A_72 = arith.constant 384 : i32
    %add3A_73 = arith.addi %mul3A_71, %add3A_72 : i32
    "tpu.region"() ({
      %run_scoped3A = tpu.sem_alloc : memref<!tpu.dma_semaphore, #tpu.memory_space<semaphore_mem>>
      %dma_start3A = arith.constant 0 : i32
      %dma_start3A_88 = tpu.memref_slice %arg14[%add3A_73, %dma_start3A] : memref<10240x64xf32, #tpu.memory_space<vmem_shared>> -> memref<128x64xf32, #tpu.memory_space<vmem_shared>>
      %dma_start3A_89 = arith.constant 0 : i32
      %dma_start3A_90 = tpu.memref_slice %arg14[%add3A_73, %dma_start3A_89] : memref<10240x64xf32, #tpu.memory_space<vmem_shared>> -> memref<128x64xf32, #tpu.memory_space<vmem_shared>>
      tpu.enqueue_dma source(%dma_start3A_90 : memref<128x64xf32, #tpu.memory_space<vmem_shared>>) target(%arg11 : memref<128x64xf32, #tpu.memory_space<vmem>>) target_semaphore(%run_scoped3A : memref<!tpu.dma_semaphore, #tpu.memory_space<semaphore_mem>>)
      %dma_wait3A = arith.constant 0 : i32
      %dma_wait3A_91 = tpu.memref_slice %arg14[%add3A_73, %dma_wait3A] : memref<10240x64xf32, #tpu.memory_space<vmem_shared>> -> memref<128x64xf32, #tpu.memory_space<vmem_shared>>
      %dma_wait3A_92 = arith.constant 0 : i32
      %dma_wait3A_93 = tpu.memref_slice %arg14[%add3A_73, %dma_wait3A_92] : memref<10240x64xf32, #tpu.memory_space<vmem_shared>> -> memref<128x64xf32, #tpu.memory_space<vmem_shared>>
      tpu.wait_dma2 semaphore(%run_scoped3A : memref<!tpu.dma_semaphore, #tpu.memory_space<semaphore_mem>>) src(%dma_wait3A_93 : memref<128x64xf32, #tpu.memory_space<vmem_shared>>) dst(%arg11 : memref<128x64xf32, #tpu.memory_space<vmem>>)
      tpu.yield
    }) : () -> ()
    %mul3A_74 = arith.constant 640 : i32
    %mul3A_75 = arith.muli %arg1, %mul3A_74 : i32
    %add3A_76 = arith.constant 384 : i32
    %add3A_77 = arith.addi %mul3A_75, %add3A_76 : i32
    "tpu.region"() ({
      %run_scoped3A = tpu.sem_alloc : memref<!tpu.dma_semaphore, #tpu.memory_space<semaphore_mem>>
      %dma_start3A = arith.constant 0 : i32
      %dma_start3A_88 = tpu.memref_slice %arg7[%arg0, %add3A_77, %dma_start3A] : memref<2x10240x64xf32, #tpu.memory_space<hbm>> -> memref<1x128x64xf32, #tpu.memory_space<hbm>>
      %dma_start3A_89 = tpu.memref_squeeze %dma_start3A_88 : memref<1x128x64xf32, #tpu.memory_space<hbm>> -> memref<128x64xf32, #tpu.memory_space<hbm>>
      %dma_start3A_90 = arith.constant 0 : i32
      %dma_start3A_91 = tpu.memref_slice %arg7[%arg0, %add3A_77, %dma_start3A_90] : memref<2x10240x64xf32, #tpu.memory_space<hbm>> -> memref<1x128x64xf32, #tpu.memory_space<hbm>>
      %dma_start3A_92 = tpu.memref_squeeze %dma_start3A_91 : memref<1x128x64xf32, #tpu.memory_space<hbm>> -> memref<128x64xf32, #tpu.memory_space<hbm>>
      tpu.enqueue_dma source(%arg11 : memref<128x64xf32, #tpu.memory_space<vmem>>) target(%dma_start3A_92 : memref<128x64xf32, #tpu.memory_space<hbm>>) target_semaphore(%run_scoped3A : memref<!tpu.dma_semaphore, #tpu.memory_space<semaphore_mem>>)
      %dma_wait3A = arith.constant 0 : i32
      %dma_wait3A_93 = tpu.memref_slice %arg7[%arg0, %add3A_77, %dma_wait3A] : memref<2x10240x64xf32, #tpu.memory_space<hbm>> -> memref<1x128x64xf32, #tpu.memory_space<hbm>>
      %dma_wait3A_94 = tpu.memref_squeeze %dma_wait3A_93 : memref<1x128x64xf32, #tpu.memory_space<hbm>> -> memref<128x64xf32, #tpu.memory_space<hbm>>
      %dma_wait3A_95 = arith.constant 0 : i32
      %dma_wait3A_96 = tpu.memref_slice %arg7[%arg0, %add3A_77, %dma_wait3A_95] : memref<2x10240x64xf32, #tpu.memory_space<hbm>> -> memref<1x128x64xf32, #tpu.memory_space<hbm>>
      %dma_wait3A_97 = tpu.memref_squeeze %dma_wait3A_96 : memref<1x128x64xf32, #tpu.memory_space<hbm>> -> memref<128x64xf32, #tpu.memory_space<hbm>>
      tpu.wait_dma2 semaphore(%run_scoped3A : memref<!tpu.dma_semaphore, #tpu.memory_space<semaphore_mem>>) src(%arg11 : memref<128x64xf32, #tpu.memory_space<vmem>>) dst(%dma_wait3A_97 : memref<128x64xf32, #tpu.memory_space<hbm>>)
      tpu.yield
    }) : () -> ()
    %mul3A_78 = arith.constant 640 : i32
    %mul3A_79 = arith.muli %arg1, %mul3A_78 : i32
    %add3A_80 = arith.constant 512 : i32
    %add3A_81 = arith.addi %mul3A_79, %add3A_80 : i32
    "tpu.region"() ({
      %run_scoped3A = tpu.sem_alloc : memref<!tpu.dma_semaphore, #tpu.memory_space<semaphore_mem>>
      %dma_start3A = arith.constant 0 : i32
      %dma_start3A_88 = tpu.memref_slice %arg14[%add3A_81, %dma_start3A] : memref<10240x64xf32, #tpu.memory_space<vmem_shared>> -> memref<128x64xf32, #tpu.memory_space<vmem_shared>>
      %dma_start3A_89 = arith.constant 0 : i32
      %dma_start3A_90 = tpu.memref_slice %arg14[%add3A_81, %dma_start3A_89] : memref<10240x64xf32, #tpu.memory_space<vmem_shared>> -> memref<128x64xf32, #tpu.memory_space<vmem_shared>>
      tpu.enqueue_dma source(%dma_start3A_90 : memref<128x64xf32, #tpu.memory_space<vmem_shared>>) target(%arg11 : memref<128x64xf32, #tpu.memory_space<vmem>>) target_semaphore(%run_scoped3A : memref<!tpu.dma_semaphore, #tpu.memory_space<semaphore_mem>>)
      %dma_wait3A = arith.constant 0 : i32
      %dma_wait3A_91 = tpu.memref_slice %arg14[%add3A_81, %dma_wait3A] : memref<10240x64xf32, #tpu.memory_space<vmem_shared>> -> memref<128x64xf32, #tpu.memory_space<vmem_shared>>
      %dma_wait3A_92 = arith.constant 0 : i32
      %dma_wait3A_93 = tpu.memref_slice %arg14[%add3A_81, %dma_wait3A_92] : memref<10240x64xf32, #tpu.memory_space<vmem_shared>> -> memref<128x64xf32, #tpu.memory_space<vmem_shared>>
      tpu.wait_dma2 semaphore(%run_scoped3A : memref<!tpu.dma_semaphore, #tpu.memory_space<semaphore_mem>>) src(%dma_wait3A_93 : memref<128x64xf32, #tpu.memory_space<vmem_shared>>) dst(%arg11 : memref<128x64xf32, #tpu.memory_space<vmem>>)
      tpu.yield
    }) : () -> ()
    %mul3A_82 = arith.constant 640 : i32
    %mul3A_83 = arith.muli %arg1, %mul3A_82 : i32
    %add3A_84 = arith.constant 512 : i32
    %add3A_85 = arith.addi %mul3A_83, %add3A_84 : i32
    "tpu.region"() ({
      %run_scoped3A = tpu.sem_alloc : memref<!tpu.dma_semaphore, #tpu.memory_space<semaphore_mem>>
      %dma_start3A = arith.constant 0 : i32
      %dma_start3A_88 = tpu.memref_slice %arg7[%arg0, %add3A_85, %dma_start3A] : memref<2x10240x64xf32, #tpu.memory_space<hbm>> -> memref<1x128x64xf32, #tpu.memory_space<hbm>>
      %dma_start3A_89 = tpu.memref_squeeze %dma_start3A_88 : memref<1x128x64xf32, #tpu.memory_space<hbm>> -> memref<128x64xf32, #tpu.memory_space<hbm>>
      %dma_start3A_90 = arith.constant 0 : i32
      %dma_start3A_91 = tpu.memref_slice %arg7[%arg0, %add3A_85, %dma_start3A_90] : memref<2x10240x64xf32, #tpu.memory_space<hbm>> -> memref<1x128x64xf32, #tpu.memory_space<hbm>>
      %dma_start3A_92 = tpu.memref_squeeze %dma_start3A_91 : memref<1x128x64xf32, #tpu.memory_space<hbm>> -> memref<128x64xf32, #tpu.memory_space<hbm>>
      tpu.enqueue_dma source(%arg11 : memref<128x64xf32, #tpu.memory_space<vmem>>) target(%dma_start3A_92 : memref<128x64xf32, #tpu.memory_space<hbm>>) target_semaphore(%run_scoped3A : memref<!tpu.dma_semaphore, #tpu.memory_space<semaphore_mem>>)
      %dma_wait3A = arith.constant 0 : i32
      %dma_wait3A_93 = tpu.memref_slice %arg7[%arg0, %add3A_85, %dma_wait3A] : memref<2x10240x64xf32, #tpu.memory_space<hbm>> -> memref<1x128x64xf32, #tpu.memory_space<hbm>>
      %dma_wait3A_94 = tpu.memref_squeeze %dma_wait3A_93 : memref<1x128x64xf32, #tpu.memory_space<hbm>> -> memref<128x64xf32, #tpu.memory_space<hbm>>
      %dma_wait3A_95 = arith.constant 0 : i32
      %dma_wait3A_96 = tpu.memref_slice %arg7[%arg0, %add3A_85, %dma_wait3A_95] : memref<2x10240x64xf32, #tpu.memory_space<hbm>> -> memref<1x128x64xf32, #tpu.memory_space<hbm>>
      %dma_wait3A_97 = tpu.memref_squeeze %dma_wait3A_96 : memref<1x128x64xf32, #tpu.memory_space<hbm>> -> memref<128x64xf32, #tpu.memory_space<hbm>>
      tpu.wait_dma2 semaphore(%run_scoped3A : memref<!tpu.dma_semaphore, #tpu.memory_space<semaphore_mem>>) src(%arg11 : memref<128x64xf32, #tpu.memory_space<vmem>>) dst(%dma_wait3A_97 : memref<128x64xf32, #tpu.memory_space<hbm>>)
      tpu.yield
    }) : () -> ()
    %eq3A = arith.constant 0 : i32
    %eq3A_86 = arith.cmpi eq, %arg0, %eq3A : i32
    %convert_element_type3A = arith.extui %eq3A_86 : i1 to i32
    %cond3A = arith.constant 0 : i32
    %cond3A_87 = arith.cmpi ne, %convert_element_type3A, %cond3A : i32
    scf.if %cond3A_87 {
      %mul3A_88 = arith.constant 640 : i32
      %mul3A_89 = arith.muli %arg1, %mul3A_88 : i32
      %add3A_90 = arith.constant 0 : i32
      %add3A_91 = arith.addi %mul3A_89, %add3A_90 : i32
      "tpu.region"() ({
        %run_scoped3A = tpu.sem_alloc : memref<!tpu.dma_semaphore, #tpu.memory_space<semaphore_mem>>
        %dma_start3A = arith.constant 0 : i32
        %dma_start3A_128 = tpu.memref_slice %arg17[%add3A_91, %dma_start3A] : memref<10240x16xf32, #tpu.memory_space<vmem_shared>> -> memref<128x16xf32, #tpu.memory_space<vmem_shared>>
        %dma_start3A_129 = arith.constant 0 : i32
        %dma_start3A_130 = tpu.memref_slice %arg17[%add3A_91, %dma_start3A_129] : memref<10240x16xf32, #tpu.memory_space<vmem_shared>> -> memref<128x16xf32, #tpu.memory_space<vmem_shared>>
        tpu.enqueue_dma source(%dma_start3A_130 : memref<128x16xf32, #tpu.memory_space<vmem_shared>>) target(%arg16 : memref<128x16xf32, #tpu.memory_space<vmem>>) target_semaphore(%run_scoped3A : memref<!tpu.dma_semaphore, #tpu.memory_space<semaphore_mem>>)
        %dma_wait3A = arith.constant 0 : i32
        %dma_wait3A_131 = tpu.memref_slice %arg17[%add3A_91, %dma_wait3A] : memref<10240x16xf32, #tpu.memory_space<vmem_shared>> -> memref<128x16xf32, #tpu.memory_space<vmem_shared>>
        %dma_wait3A_132 = arith.constant 0 : i32
        %dma_wait3A_133 = tpu.memref_slice %arg17[%add3A_91, %dma_wait3A_132] : memref<10240x16xf32, #tpu.memory_space<vmem_shared>> -> memref<128x16xf32, #tpu.memory_space<vmem_shared>>
        tpu.wait_dma2 semaphore(%run_scoped3A : memref<!tpu.dma_semaphore, #tpu.memory_space<semaphore_mem>>) src(%dma_wait3A_133 : memref<128x16xf32, #tpu.memory_space<vmem_shared>>) dst(%arg16 : memref<128x16xf32, #tpu.memory_space<vmem>>)
        tpu.yield
      }) : () -> ()
      %mul3A_92 = arith.constant 640 : i32
      %mul3A_93 = arith.muli %arg1, %mul3A_92 : i32
      %add3A_94 = arith.constant 0 : i32
      %add3A_95 = arith.addi %mul3A_93, %add3A_94 : i32
      "tpu.region"() ({
        %run_scoped3A = tpu.sem_alloc : memref<!tpu.dma_semaphore, #tpu.memory_space<semaphore_mem>>
        %dma_start3A = arith.constant 0 : i32
        %dma_start3A_128 = tpu.memref_slice %arg8[%add3A_95, %dma_start3A] : memref<10240x16xf32, #tpu.memory_space<hbm>> -> memref<128x16xf32, #tpu.memory_space<hbm>>
        %dma_start3A_129 = arith.constant 0 : i32
        %dma_start3A_130 = tpu.memref_slice %arg8[%add3A_95, %dma_start3A_129] : memref<10240x16xf32, #tpu.memory_space<hbm>> -> memref<128x16xf32, #tpu.memory_space<hbm>>
        tpu.enqueue_dma source(%arg16 : memref<128x16xf32, #tpu.memory_space<vmem>>) target(%dma_start3A_130 : memref<128x16xf32, #tpu.memory_space<hbm>>) target_semaphore(%run_scoped3A : memref<!tpu.dma_semaphore, #tpu.memory_space<semaphore_mem>>)
        %dma_wait3A = arith.constant 0 : i32
        %dma_wait3A_131 = tpu.memref_slice %arg8[%add3A_95, %dma_wait3A] : memref<10240x16xf32, #tpu.memory_space<hbm>> -> memref<128x16xf32, #tpu.memory_space<hbm>>
        %dma_wait3A_132 = arith.constant 0 : i32
        %dma_wait3A_133 = tpu.memref_slice %arg8[%add3A_95, %dma_wait3A_132] : memref<10240x16xf32, #tpu.memory_space<hbm>> -> memref<128x16xf32, #tpu.memory_space<hbm>>
        tpu.wait_dma2 semaphore(%run_scoped3A : memref<!tpu.dma_semaphore, #tpu.memory_space<semaphore_mem>>) src(%arg16 : memref<128x16xf32, #tpu.memory_space<vmem>>) dst(%dma_wait3A_133 : memref<128x16xf32, #tpu.memory_space<hbm>>)
        tpu.yield
      }) : () -> ()
      %mul3A_96 = arith.constant 640 : i32
      %mul3A_97 = arith.muli %arg1, %mul3A_96 : i32
      %add3A_98 = arith.constant 128 : i32
      %add3A_99 = arith.addi %mul3A_97, %add3A_98 : i32
      "tpu.region"() ({
        %run_scoped3A = tpu.sem_alloc : memref<!tpu.dma_semaphore, #tpu.memory_space<semaphore_mem>>
        %dma_start3A = arith.constant 0 : i32
        %dma_start3A_128 = tpu.memref_slice %arg17[%add3A_99, %dma_start3A] : memref<10240x16xf32, #tpu.memory_space<vmem_shared>> -> memref<128x16xf32, #tpu.memory_space<vmem_shared>>
        %dma_start3A_129 = arith.constant 0 : i32
        %dma_start3A_130 = tpu.memref_slice %arg17[%add3A_99, %dma_start3A_129] : memref<10240x16xf32, #tpu.memory_space<vmem_shared>> -> memref<128x16xf32, #tpu.memory_space<vmem_shared>>
        tpu.enqueue_dma source(%dma_start3A_130 : memref<128x16xf32, #tpu.memory_space<vmem_shared>>) target(%arg16 : memref<128x16xf32, #tpu.memory_space<vmem>>) target_semaphore(%run_scoped3A : memref<!tpu.dma_semaphore, #tpu.memory_space<semaphore_mem>>)
        %dma_wait3A = arith.constant 0 : i32
        %dma_wait3A_131 = tpu.memref_slice %arg17[%add3A_99, %dma_wait3A] : memref<10240x16xf32, #tpu.memory_space<vmem_shared>> -> memref<128x16xf32, #tpu.memory_space<vmem_shared>>
        %dma_wait3A_132 = arith.constant 0 : i32
        %dma_wait3A_133 = tpu.memref_slice %arg17[%add3A_99, %dma_wait3A_132] : memref<10240x16xf32, #tpu.memory_space<vmem_shared>> -> memref<128x16xf32, #tpu.memory_space<vmem_shared>>
        tpu.wait_dma2 semaphore(%run_scoped3A : memref<!tpu.dma_semaphore, #tpu.memory_space<semaphore_mem>>) src(%dma_wait3A_133 : memref<128x16xf32, #tpu.memory_space<vmem_shared>>) dst(%arg16 : memref<128x16xf32, #tpu.memory_space<vmem>>)
        tpu.yield
      }) : () -> ()
      %mul3A_100 = arith.constant 640 : i32
      %mul3A_101 = arith.muli %arg1, %mul3A_100 : i32
      %add3A_102 = arith.constant 128 : i32
      %add3A_103 = arith.addi %mul3A_101, %add3A_102 : i32
      "tpu.region"() ({
        %run_scoped3A = tpu.sem_alloc : memref<!tpu.dma_semaphore, #tpu.memory_space<semaphore_mem>>
        %dma_start3A = arith.constant 0 : i32
        %dma_start3A_128 = tpu.memref_slice %arg8[%add3A_103, %dma_start3A] : memref<10240x16xf32, #tpu.memory_space<hbm>> -> memref<128x16xf32, #tpu.memory_space<hbm>>
        %dma_start3A_129 = arith.constant 0 : i32
        %dma_start3A_130 = tpu.memref_slice %arg8[%add3A_103, %dma_start3A_129] : memref<10240x16xf32, #tpu.memory_space<hbm>> -> memref<128x16xf32, #tpu.memory_space<hbm>>
        tpu.enqueue_dma source(%arg16 : memref<128x16xf32, #tpu.memory_space<vmem>>) target(%dma_start3A_130 : memref<128x16xf32, #tpu.memory_space<hbm>>) target_semaphore(%run_scoped3A : memref<!tpu.dma_semaphore, #tpu.memory_space<semaphore_mem>>)
        %dma_wait3A = arith.constant 0 : i32
        %dma_wait3A_131 = tpu.memref_slice %arg8[%add3A_103, %dma_wait3A] : memref<10240x16xf32, #tpu.memory_space<hbm>> -> memref<128x16xf32, #tpu.memory_space<hbm>>
        %dma_wait3A_132 = arith.constant 0 : i32
        %dma_wait3A_133 = tpu.memref_slice %arg8[%add3A_103, %dma_wait3A_132] : memref<10240x16xf32, #tpu.memory_space<hbm>> -> memref<128x16xf32, #tpu.memory_space<hbm>>
        tpu.wait_dma2 semaphore(%run_scoped3A : memref<!tpu.dma_semaphore, #tpu.memory_space<semaphore_mem>>) src(%arg16 : memref<128x16xf32, #tpu.memory_space<vmem>>) dst(%dma_wait3A_133 : memref<128x16xf32, #tpu.memory_space<hbm>>)
        tpu.yield
      }) : () -> ()
      %mul3A_104 = arith.constant 640 : i32
      %mul3A_105 = arith.muli %arg1, %mul3A_104 : i32
      %add3A_106 = arith.constant 256 : i32
      %add3A_107 = arith.addi %mul3A_105, %add3A_106 : i32
      "tpu.region"() ({
        %run_scoped3A = tpu.sem_alloc : memref<!tpu.dma_semaphore, #tpu.memory_space<semaphore_mem>>
        %dma_start3A = arith.constant 0 : i32
        %dma_start3A_128 = tpu.memref_slice %arg17[%add3A_107, %dma_start3A] : memref<10240x16xf32, #tpu.memory_space<vmem_shared>> -> memref<128x16xf32, #tpu.memory_space<vmem_shared>>
        %dma_start3A_129 = arith.constant 0 : i32
        %dma_start3A_130 = tpu.memref_slice %arg17[%add3A_107, %dma_start3A_129] : memref<10240x16xf32, #tpu.memory_space<vmem_shared>> -> memref<128x16xf32, #tpu.memory_space<vmem_shared>>
        tpu.enqueue_dma source(%dma_start3A_130 : memref<128x16xf32, #tpu.memory_space<vmem_shared>>) target(%arg16 : memref<128x16xf32, #tpu.memory_space<vmem>>) target_semaphore(%run_scoped3A : memref<!tpu.dma_semaphore, #tpu.memory_space<semaphore_mem>>)
        %dma_wait3A = arith.constant 0 : i32
        %dma_wait3A_131 = tpu.memref_slice %arg17[%add3A_107, %dma_wait3A] : memref<10240x16xf32, #tpu.memory_space<vmem_shared>> -> memref<128x16xf32, #tpu.memory_space<vmem_shared>>
        %dma_wait3A_132 = arith.constant 0 : i32
        %dma_wait3A_133 = tpu.memref_slice %arg17[%add3A_107, %dma_wait3A_132] : memref<10240x16xf32, #tpu.memory_space<vmem_shared>> -> memref<128x16xf32, #tpu.memory_space<vmem_shared>>
        tpu.wait_dma2 semaphore(%run_scoped3A : memref<!tpu.dma_semaphore, #tpu.memory_space<semaphore_mem>>) src(%dma_wait3A_133 : memref<128x16xf32, #tpu.memory_space<vmem_shared>>) dst(%arg16 : memref<128x16xf32, #tpu.memory_space<vmem>>)
        tpu.yield
      }) : () -> ()
      %mul3A_108 = arith.constant 640 : i32
      %mul3A_109 = arith.muli %arg1, %mul3A_108 : i32
      %add3A_110 = arith.constant 256 : i32
      %add3A_111 = arith.addi %mul3A_109, %add3A_110 : i32
      "tpu.region"() ({
        %run_scoped3A = tpu.sem_alloc : memref<!tpu.dma_semaphore, #tpu.memory_space<semaphore_mem>>
        %dma_start3A = arith.constant 0 : i32
        %dma_start3A_128 = tpu.memref_slice %arg8[%add3A_111, %dma_start3A] : memref<10240x16xf32, #tpu.memory_space<hbm>> -> memref<128x16xf32, #tpu.memory_space<hbm>>
        %dma_start3A_129 = arith.constant 0 : i32
        %dma_start3A_130 = tpu.memref_slice %arg8[%add3A_111, %dma_start3A_129] : memref<10240x16xf32, #tpu.memory_space<hbm>> -> memref<128x16xf32, #tpu.memory_space<hbm>>
        tpu.enqueue_dma source(%arg16 : memref<128x16xf32, #tpu.memory_space<vmem>>) target(%dma_start3A_130 : memref<128x16xf32, #tpu.memory_space<hbm>>) target_semaphore(%run_scoped3A : memref<!tpu.dma_semaphore, #tpu.memory_space<semaphore_mem>>)
        %dma_wait3A = arith.constant 0 : i32
        %dma_wait3A_131 = tpu.memref_slice %arg8[%add3A_111, %dma_wait3A] : memref<10240x16xf32, #tpu.memory_space<hbm>> -> memref<128x16xf32, #tpu.memory_space<hbm>>
        %dma_wait3A_132 = arith.constant 0 : i32
        %dma_wait3A_133 = tpu.memref_slice %arg8[%add3A_111, %dma_wait3A_132] : memref<10240x16xf32, #tpu.memory_space<hbm>> -> memref<128x16xf32, #tpu.memory_space<hbm>>
        tpu.wait_dma2 semaphore(%run_scoped3A : memref<!tpu.dma_semaphore, #tpu.memory_space<semaphore_mem>>) src(%arg16 : memref<128x16xf32, #tpu.memory_space<vmem>>) dst(%dma_wait3A_133 : memref<128x16xf32, #tpu.memory_space<hbm>>)
        tpu.yield
      }) : () -> ()
      %mul3A_112 = arith.constant 640 : i32
      %mul3A_113 = arith.muli %arg1, %mul3A_112 : i32
      %add3A_114 = arith.constant 384 : i32
      %add3A_115 = arith.addi %mul3A_113, %add3A_114 : i32
      "tpu.region"() ({
        %run_scoped3A = tpu.sem_alloc : memref<!tpu.dma_semaphore, #tpu.memory_space<semaphore_mem>>
        %dma_start3A = arith.constant 0 : i32
        %dma_start3A_128 = tpu.memref_slice %arg17[%add3A_115, %dma_start3A] : memref<10240x16xf32, #tpu.memory_space<vmem_shared>> -> memref<128x16xf32, #tpu.memory_space<vmem_shared>>
        %dma_start3A_129 = arith.constant 0 : i32
        %dma_start3A_130 = tpu.memref_slice %arg17[%add3A_115, %dma_start3A_129] : memref<10240x16xf32, #tpu.memory_space<vmem_shared>> -> memref<128x16xf32, #tpu.memory_space<vmem_shared>>
        tpu.enqueue_dma source(%dma_start3A_130 : memref<128x16xf32, #tpu.memory_space<vmem_shared>>) target(%arg16 : memref<128x16xf32, #tpu.memory_space<vmem>>) target_semaphore(%run_scoped3A : memref<!tpu.dma_semaphore, #tpu.memory_space<semaphore_mem>>)
        %dma_wait3A = arith.constant 0 : i32
        %dma_wait3A_131 = tpu.memref_slice %arg17[%add3A_115, %dma_wait3A] : memref<10240x16xf32, #tpu.memory_space<vmem_shared>> -> memref<128x16xf32, #tpu.memory_space<vmem_shared>>
        %dma_wait3A_132 = arith.constant 0 : i32
        %dma_wait3A_133 = tpu.memref_slice %arg17[%add3A_115, %dma_wait3A_132] : memref<10240x16xf32, #tpu.memory_space<vmem_shared>> -> memref<128x16xf32, #tpu.memory_space<vmem_shared>>
        tpu.wait_dma2 semaphore(%run_scoped3A : memref<!tpu.dma_semaphore, #tpu.memory_space<semaphore_mem>>) src(%dma_wait3A_133 : memref<128x16xf32, #tpu.memory_space<vmem_shared>>) dst(%arg16 : memref<128x16xf32, #tpu.memory_space<vmem>>)
        tpu.yield
      }) : () -> ()
      %mul3A_116 = arith.constant 640 : i32
      %mul3A_117 = arith.muli %arg1, %mul3A_116 : i32
      %add3A_118 = arith.constant 384 : i32
      %add3A_119 = arith.addi %mul3A_117, %add3A_118 : i32
      "tpu.region"() ({
        %run_scoped3A = tpu.sem_alloc : memref<!tpu.dma_semaphore, #tpu.memory_space<semaphore_mem>>
        %dma_start3A = arith.constant 0 : i32
        %dma_start3A_128 = tpu.memref_slice %arg8[%add3A_119, %dma_start3A] : memref<10240x16xf32, #tpu.memory_space<hbm>> -> memref<128x16xf32, #tpu.memory_space<hbm>>
        %dma_start3A_129 = arith.constant 0 : i32
        %dma_start3A_130 = tpu.memref_slice %arg8[%add3A_119, %dma_start3A_129] : memref<10240x16xf32, #tpu.memory_space<hbm>> -> memref<128x16xf32, #tpu.memory_space<hbm>>
        tpu.enqueue_dma source(%arg16 : memref<128x16xf32, #tpu.memory_space<vmem>>) target(%dma_start3A_130 : memref<128x16xf32, #tpu.memory_space<hbm>>) target_semaphore(%run_scoped3A : memref<!tpu.dma_semaphore, #tpu.memory_space<semaphore_mem>>)
        %dma_wait3A = arith.constant 0 : i32
        %dma_wait3A_131 = tpu.memref_slice %arg8[%add3A_119, %dma_wait3A] : memref<10240x16xf32, #tpu.memory_space<hbm>> -> memref<128x16xf32, #tpu.memory_space<hbm>>
        %dma_wait3A_132 = arith.constant 0 : i32
        %dma_wait3A_133 = tpu.memref_slice %arg8[%add3A_119, %dma_wait3A_132] : memref<10240x16xf32, #tpu.memory_space<hbm>> -> memref<128x16xf32, #tpu.memory_space<hbm>>
        tpu.wait_dma2 semaphore(%run_scoped3A : memref<!tpu.dma_semaphore, #tpu.memory_space<semaphore_mem>>) src(%arg16 : memref<128x16xf32, #tpu.memory_space<vmem>>) dst(%dma_wait3A_133 : memref<128x16xf32, #tpu.memory_space<hbm>>)
        tpu.yield
      }) : () -> ()
      %mul3A_120 = arith.constant 640 : i32
      %mul3A_121 = arith.muli %arg1, %mul3A_120 : i32
      %add3A_122 = arith.constant 512 : i32
      %add3A_123 = arith.addi %mul3A_121, %add3A_122 : i32
      "tpu.region"() ({
        %run_scoped3A = tpu.sem_alloc : memref<!tpu.dma_semaphore, #tpu.memory_space<semaphore_mem>>
        %dma_start3A = arith.constant 0 : i32
        %dma_start3A_128 = tpu.memref_slice %arg17[%add3A_123, %dma_start3A] : memref<10240x16xf32, #tpu.memory_space<vmem_shared>> -> memref<128x16xf32, #tpu.memory_space<vmem_shared>>
        %dma_start3A_129 = arith.constant 0 : i32
        %dma_start3A_130 = tpu.memref_slice %arg17[%add3A_123, %dma_start3A_129] : memref<10240x16xf32, #tpu.memory_space<vmem_shared>> -> memref<128x16xf32, #tpu.memory_space<vmem_shared>>
        tpu.enqueue_dma source(%dma_start3A_130 : memref<128x16xf32, #tpu.memory_space<vmem_shared>>) target(%arg16 : memref<128x16xf32, #tpu.memory_space<vmem>>) target_semaphore(%run_scoped3A : memref<!tpu.dma_semaphore, #tpu.memory_space<semaphore_mem>>)
        %dma_wait3A = arith.constant 0 : i32
        %dma_wait3A_131 = tpu.memref_slice %arg17[%add3A_123, %dma_wait3A] : memref<10240x16xf32, #tpu.memory_space<vmem_shared>> -> memref<128x16xf32, #tpu.memory_space<vmem_shared>>
        %dma_wait3A_132 = arith.constant 0 : i32
        %dma_wait3A_133 = tpu.memref_slice %arg17[%add3A_123, %dma_wait3A_132] : memref<10240x16xf32, #tpu.memory_space<vmem_shared>> -> memref<128x16xf32, #tpu.memory_space<vmem_shared>>
        tpu.wait_dma2 semaphore(%run_scoped3A : memref<!tpu.dma_semaphore, #tpu.memory_space<semaphore_mem>>) src(%dma_wait3A_133 : memref<128x16xf32, #tpu.memory_space<vmem_shared>>) dst(%arg16 : memref<128x16xf32, #tpu.memory_space<vmem>>)
        tpu.yield
      }) : () -> ()
      %mul3A_124 = arith.constant 640 : i32
      %mul3A_125 = arith.muli %arg1, %mul3A_124 : i32
      %add3A_126 = arith.constant 512 : i32
      %add3A_127 = arith.addi %mul3A_125, %add3A_126 : i32
      "tpu.region"() ({
        %run_scoped3A = tpu.sem_alloc : memref<!tpu.dma_semaphore, #tpu.memory_space<semaphore_mem>>
        %dma_start3A = arith.constant 0 : i32
        %dma_start3A_128 = tpu.memref_slice %arg8[%add3A_127, %dma_start3A] : memref<10240x16xf32, #tpu.memory_space<hbm>> -> memref<128x16xf32, #tpu.memory_space<hbm>>
        %dma_start3A_129 = arith.constant 0 : i32
        %dma_start3A_130 = tpu.memref_slice %arg8[%add3A_127, %dma_start3A_129] : memref<10240x16xf32, #tpu.memory_space<hbm>> -> memref<128x16xf32, #tpu.memory_space<hbm>>
        tpu.enqueue_dma source(%arg16 : memref<128x16xf32, #tpu.memory_space<vmem>>) target(%dma_start3A_130 : memref<128x16xf32, #tpu.memory_space<hbm>>) target_semaphore(%run_scoped3A : memref<!tpu.dma_semaphore, #tpu.memory_space<semaphore_mem>>)
        %dma_wait3A = arith.constant 0 : i32
        %dma_wait3A_131 = tpu.memref_slice %arg8[%add3A_127, %dma_wait3A] : memref<10240x16xf32, #tpu.memory_space<hbm>> -> memref<128x16xf32, #tpu.memory_space<hbm>>
        %dma_wait3A_132 = arith.constant 0 : i32
        %dma_wait3A_133 = tpu.memref_slice %arg8[%add3A_127, %dma_wait3A_132] : memref<10240x16xf32, #tpu.memory_space<hbm>> -> memref<128x16xf32, #tpu.memory_space<hbm>>
        tpu.wait_dma2 semaphore(%run_scoped3A : memref<!tpu.dma_semaphore, #tpu.memory_space<semaphore_mem>>) src(%arg16 : memref<128x16xf32, #tpu.memory_space<vmem>>) dst(%dma_wait3A_133 : memref<128x16xf32, #tpu.memory_space<hbm>>)
        tpu.yield
      }) : () -> ()
    } else {
    }
    return
  }
}

#map = affine_map<(d0, d1) -> (0, 0)>
#map1 = affine_map<(d0, d1) -> (0)>
#map2 = affine_map<(d0, d1) -> (0, 0, 0)>
module attributes {stable_mosaic.version = 14 : i64} {
  func.func @k(%arg0: i32, %arg1: i32, %arg2: memref<20480x64xf32, #tpu.memory_space<hbm>>, %arg3: memref<2x321536xi32, #tpu.memory_space<hbm>>, %arg4: memref<321536xi32, #tpu.memory_space<hbm>>, %arg5: memref<128x64xf32, #tpu.memory_space<hbm>>, %arg6: memref<256x16xf32, #tpu.memory_space<hbm>>, %arg7: memref<2x10240x64xf32, #tpu.memory_space<hbm>>, %arg8: memref<128xi32, #tpu.memory_space<vmem>>, %arg9: memref<128xi32, #tpu.memory_space<vmem>>, %arg10: memref<128x64xf32, #tpu.memory_space<vmem>>, %arg11: memref<128x64xf32, #tpu.memory_space<vmem>>, %arg12: memref<!tpu.dma_semaphore, #tpu.memory_space<semaphore_mem>>, %arg13: memref<10240x64xf32, #tpu.memory_space<vmem_shared>>) attributes {dimension_semantics = [#tpu.dimension_semantics<core_parallel>, #tpu.dimension_semantics<subcore_parallel>], iteration_bounds = array<i64: 2, 16>, scalar_prefetch = 0 : i64, scratch_operands = 6 : i64, tpu.core_type = #tpu.core_type<sc_vector_subcore>, window_params = [{transform_indices = #map}, {transform_indices = #map}, {transform_indices = #map1}, {transform_indices = #map}, {transform_indices = #map}, {transform_indices = #map2}]} {
    "tpu.region"() ({
      %run_scoped3A = tpu.sem_alloc : memref<!tpu.dma_semaphore, #tpu.memory_space<semaphore_mem>>
      tpu.enqueue_dma source(%arg5 : memref<128x64xf32, #tpu.memory_space<hbm>>) target(%arg11 : memref<128x64xf32, #tpu.memory_space<vmem>>) target_semaphore(%run_scoped3A : memref<!tpu.dma_semaphore, #tpu.memory_space<semaphore_mem>>)
      tpu.wait_dma2 semaphore(%run_scoped3A : memref<!tpu.dma_semaphore, #tpu.memory_space<semaphore_mem>>) src(%arg5 : memref<128x64xf32, #tpu.memory_space<hbm>>) dst(%arg11 : memref<128x64xf32, #tpu.memory_space<vmem>>)
      tpu.yield
    }) : () -> ()
    %mul3A = arith.constant 640 : i32
    %mul3A_0 = arith.muli %arg1, %mul3A : i32
    %add3A = arith.constant 0 : i32
    %add3A_1 = arith.addi %mul3A_0, %add3A : i32
    "tpu.region"() ({
      %run_scoped3A = tpu.sem_alloc : memref<!tpu.dma_semaphore, #tpu.memory_space<semaphore_mem>>
      %dma_start3A = arith.constant 0 : i32
      %dma_start3A_66 = tpu.memref_slice %arg13[%add3A_1, %dma_start3A] : memref<10240x64xf32, #tpu.memory_space<vmem_shared>> -> memref<128x64xf32, #tpu.memory_space<vmem_shared>>
      %dma_start3A_67 = arith.constant 0 : i32
      %dma_start3A_68 = tpu.memref_slice %arg13[%add3A_1, %dma_start3A_67] : memref<10240x64xf32, #tpu.memory_space<vmem_shared>> -> memref<128x64xf32, #tpu.memory_space<vmem_shared>>
      tpu.enqueue_dma source(%arg11 : memref<128x64xf32, #tpu.memory_space<vmem>>) target(%dma_start3A_68 : memref<128x64xf32, #tpu.memory_space<vmem_shared>>) target_semaphore(%run_scoped3A : memref<!tpu.dma_semaphore, #tpu.memory_space<semaphore_mem>>)
      %dma_wait3A = arith.constant 0 : i32
      %dma_wait3A_69 = tpu.memref_slice %arg13[%add3A_1, %dma_wait3A] : memref<10240x64xf32, #tpu.memory_space<vmem_shared>> -> memref<128x64xf32, #tpu.memory_space<vmem_shared>>
      %dma_wait3A_70 = arith.constant 0 : i32
      %dma_wait3A_71 = tpu.memref_slice %arg13[%add3A_1, %dma_wait3A_70] : memref<10240x64xf32, #tpu.memory_space<vmem_shared>> -> memref<128x64xf32, #tpu.memory_space<vmem_shared>>
      tpu.wait_dma2 semaphore(%run_scoped3A : memref<!tpu.dma_semaphore, #tpu.memory_space<semaphore_mem>>) src(%arg11 : memref<128x64xf32, #tpu.memory_space<vmem>>) dst(%dma_wait3A_71 : memref<128x64xf32, #tpu.memory_space<vmem_shared>>)
      tpu.yield
    }) : () -> ()
    %mul3A_2 = arith.constant 640 : i32
    %mul3A_3 = arith.muli %arg1, %mul3A_2 : i32
    %add3A_4 = arith.constant 128 : i32
    %add3A_5 = arith.addi %mul3A_3, %add3A_4 : i32
    "tpu.region"() ({
      %run_scoped3A = tpu.sem_alloc : memref<!tpu.dma_semaphore, #tpu.memory_space<semaphore_mem>>
      %dma_start3A = arith.constant 0 : i32
      %dma_start3A_66 = tpu.memref_slice %arg13[%add3A_5, %dma_start3A] : memref<10240x64xf32, #tpu.memory_space<vmem_shared>> -> memref<128x64xf32, #tpu.memory_space<vmem_shared>>
      %dma_start3A_67 = arith.constant 0 : i32
      %dma_start3A_68 = tpu.memref_slice %arg13[%add3A_5, %dma_start3A_67] : memref<10240x64xf32, #tpu.memory_space<vmem_shared>> -> memref<128x64xf32, #tpu.memory_space<vmem_shared>>
      tpu.enqueue_dma source(%arg11 : memref<128x64xf32, #tpu.memory_space<vmem>>) target(%dma_start3A_68 : memref<128x64xf32, #tpu.memory_space<vmem_shared>>) target_semaphore(%run_scoped3A : memref<!tpu.dma_semaphore, #tpu.memory_space<semaphore_mem>>)
      %dma_wait3A = arith.constant 0 : i32
      %dma_wait3A_69 = tpu.memref_slice %arg13[%add3A_5, %dma_wait3A] : memref<10240x64xf32, #tpu.memory_space<vmem_shared>> -> memref<128x64xf32, #tpu.memory_space<vmem_shared>>
      %dma_wait3A_70 = arith.constant 0 : i32
      %dma_wait3A_71 = tpu.memref_slice %arg13[%add3A_5, %dma_wait3A_70] : memref<10240x64xf32, #tpu.memory_space<vmem_shared>> -> memref<128x64xf32, #tpu.memory_space<vmem_shared>>
      tpu.wait_dma2 semaphore(%run_scoped3A : memref<!tpu.dma_semaphore, #tpu.memory_space<semaphore_mem>>) src(%arg11 : memref<128x64xf32, #tpu.memory_space<vmem>>) dst(%dma_wait3A_71 : memref<128x64xf32, #tpu.memory_space<vmem_shared>>)
      tpu.yield
    }) : () -> ()
    %mul3A_6 = arith.constant 640 : i32
    %mul3A_7 = arith.muli %arg1, %mul3A_6 : i32
    %add3A_8 = arith.constant 256 : i32
    %add3A_9 = arith.addi %mul3A_7, %add3A_8 : i32
    "tpu.region"() ({
      %run_scoped3A = tpu.sem_alloc : memref<!tpu.dma_semaphore, #tpu.memory_space<semaphore_mem>>
      %dma_start3A = arith.constant 0 : i32
      %dma_start3A_66 = tpu.memref_slice %arg13[%add3A_9, %dma_start3A] : memref<10240x64xf32, #tpu.memory_space<vmem_shared>> -> memref<128x64xf32, #tpu.memory_space<vmem_shared>>
      %dma_start3A_67 = arith.constant 0 : i32
      %dma_start3A_68 = tpu.memref_slice %arg13[%add3A_9, %dma_start3A_67] : memref<10240x64xf32, #tpu.memory_space<vmem_shared>> -> memref<128x64xf32, #tpu.memory_space<vmem_shared>>
      tpu.enqueue_dma source(%arg11 : memref<128x64xf32, #tpu.memory_space<vmem>>) target(%dma_start3A_68 : memref<128x64xf32, #tpu.memory_space<vmem_shared>>) target_semaphore(%run_scoped3A : memref<!tpu.dma_semaphore, #tpu.memory_space<semaphore_mem>>)
      %dma_wait3A = arith.constant 0 : i32
      %dma_wait3A_69 = tpu.memref_slice %arg13[%add3A_9, %dma_wait3A] : memref<10240x64xf32, #tpu.memory_space<vmem_shared>> -> memref<128x64xf32, #tpu.memory_space<vmem_shared>>
      %dma_wait3A_70 = arith.constant 0 : i32
      %dma_wait3A_71 = tpu.memref_slice %arg13[%add3A_9, %dma_wait3A_70] : memref<10240x64xf32, #tpu.memory_space<vmem_shared>> -> memref<128x64xf32, #tpu.memory_space<vmem_shared>>
      tpu.wait_dma2 semaphore(%run_scoped3A : memref<!tpu.dma_semaphore, #tpu.memory_space<semaphore_mem>>) src(%arg11 : memref<128x64xf32, #tpu.memory_space<vmem>>) dst(%dma_wait3A_71 : memref<128x64xf32, #tpu.memory_space<vmem_shared>>)
      tpu.yield
    }) : () -> ()
    %mul3A_10 = arith.constant 640 : i32
    %mul3A_11 = arith.muli %arg1, %mul3A_10 : i32
    %add3A_12 = arith.constant 384 : i32
    %add3A_13 = arith.addi %mul3A_11, %add3A_12 : i32
    "tpu.region"() ({
      %run_scoped3A = tpu.sem_alloc : memref<!tpu.dma_semaphore, #tpu.memory_space<semaphore_mem>>
      %dma_start3A = arith.constant 0 : i32
      %dma_start3A_66 = tpu.memref_slice %arg13[%add3A_13, %dma_start3A] : memref<10240x64xf32, #tpu.memory_space<vmem_shared>> -> memref<128x64xf32, #tpu.memory_space<vmem_shared>>
      %dma_start3A_67 = arith.constant 0 : i32
      %dma_start3A_68 = tpu.memref_slice %arg13[%add3A_13, %dma_start3A_67] : memref<10240x64xf32, #tpu.memory_space<vmem_shared>> -> memref<128x64xf32, #tpu.memory_space<vmem_shared>>
      tpu.enqueue_dma source(%arg11 : memref<128x64xf32, #tpu.memory_space<vmem>>) target(%dma_start3A_68 : memref<128x64xf32, #tpu.memory_space<vmem_shared>>) target_semaphore(%run_scoped3A : memref<!tpu.dma_semaphore, #tpu.memory_space<semaphore_mem>>)
      %dma_wait3A = arith.constant 0 : i32
      %dma_wait3A_69 = tpu.memref_slice %arg13[%add3A_13, %dma_wait3A] : memref<10240x64xf32, #tpu.memory_space<vmem_shared>> -> memref<128x64xf32, #tpu.memory_space<vmem_shared>>
      %dma_wait3A_70 = arith.constant 0 : i32
      %dma_wait3A_71 = tpu.memref_slice %arg13[%add3A_13, %dma_wait3A_70] : memref<10240x64xf32, #tpu.memory_space<vmem_shared>> -> memref<128x64xf32, #tpu.memory_space<vmem_shared>>
      tpu.wait_dma2 semaphore(%run_scoped3A : memref<!tpu.dma_semaphore, #tpu.memory_space<semaphore_mem>>) src(%arg11 : memref<128x64xf32, #tpu.memory_space<vmem>>) dst(%dma_wait3A_71 : memref<128x64xf32, #tpu.memory_space<vmem_shared>>)
      tpu.yield
    }) : () -> ()
    %mul3A_14 = arith.constant 640 : i32
    %mul3A_15 = arith.muli %arg1, %mul3A_14 : i32
    %add3A_16 = arith.constant 512 : i32
    %add3A_17 = arith.addi %mul3A_15, %add3A_16 : i32
    "tpu.region"() ({
      %run_scoped3A = tpu.sem_alloc : memref<!tpu.dma_semaphore, #tpu.memory_space<semaphore_mem>>
      %dma_start3A = arith.constant 0 : i32
      %dma_start3A_66 = tpu.memref_slice %arg13[%add3A_17, %dma_start3A] : memref<10240x64xf32, #tpu.memory_space<vmem_shared>> -> memref<128x64xf32, #tpu.memory_space<vmem_shared>>
      %dma_start3A_67 = arith.constant 0 : i32
      %dma_start3A_68 = tpu.memref_slice %arg13[%add3A_17, %dma_start3A_67] : memref<10240x64xf32, #tpu.memory_space<vmem_shared>> -> memref<128x64xf32, #tpu.memory_space<vmem_shared>>
      tpu.enqueue_dma source(%arg11 : memref<128x64xf32, #tpu.memory_space<vmem>>) target(%dma_start3A_68 : memref<128x64xf32, #tpu.memory_space<vmem_shared>>) target_semaphore(%run_scoped3A : memref<!tpu.dma_semaphore, #tpu.memory_space<semaphore_mem>>)
      %dma_wait3A = arith.constant 0 : i32
      %dma_wait3A_69 = tpu.memref_slice %arg13[%add3A_17, %dma_wait3A] : memref<10240x64xf32, #tpu.memory_space<vmem_shared>> -> memref<128x64xf32, #tpu.memory_space<vmem_shared>>
      %dma_wait3A_70 = arith.constant 0 : i32
      %dma_wait3A_71 = tpu.memref_slice %arg13[%add3A_17, %dma_wait3A_70] : memref<10240x64xf32, #tpu.memory_space<vmem_shared>> -> memref<128x64xf32, #tpu.memory_space<vmem_shared>>
      tpu.wait_dma2 semaphore(%run_scoped3A : memref<!tpu.dma_semaphore, #tpu.memory_space<semaphore_mem>>) src(%arg11 : memref<128x64xf32, #tpu.memory_space<vmem>>) dst(%dma_wait3A_71 : memref<128x64xf32, #tpu.memory_space<vmem_shared>>)
      tpu.yield
    }) : () -> ()
    %barrier3A = arith.constant 0 : index
    tpu.barrier barrier_id(%barrier3A)
    %mul3A_18 = arith.constant 20096 : i32
    %mul3A_19 = arith.muli %arg1, %mul3A_18 : i32
    %scan3A = arith.constant 0 : i32
    %scan3A_20 = arith.constant 0 : i32
    %scan3A_21 = arith.constant 157 : i32
    %scan3A_22 = arith.addi %scan3A_20, %scan3A_21 : i32
    %scan3A_23 = arith.constant 1 : i32
    scf.for %scan3A_66 = %scan3A_20 to %scan3A_22 step %scan3A_23  : i32 {
      %mul3A_67 = arith.constant 128 : i32
      %mul3A_68 = arith.muli %scan3A_66, %mul3A_67 : i32
      %add3A_69 = arith.addi %mul3A_19, %mul3A_68 : i32
      "tpu.region"() ({
        %run_scoped3A = tpu.sem_alloc : memref<!tpu.dma_semaphore, #tpu.memory_space<semaphore_mem>>
        %dma_start3A_74 = tpu.memref_slice %arg3[%arg0, %add3A_69] : memref<2x321536xi32, #tpu.memory_space<hbm>> -> memref<1x128xi32, #tpu.memory_space<hbm>>
        %dma_start3A_75 = tpu.memref_squeeze %dma_start3A_74 : memref<1x128xi32, #tpu.memory_space<hbm>> -> memref<128xi32, #tpu.memory_space<hbm>>
        %dma_start3A_76 = tpu.memref_slice %arg3[%arg0, %add3A_69] : memref<2x321536xi32, #tpu.memory_space<hbm>> -> memref<1x128xi32, #tpu.memory_space<hbm>>
        %dma_start3A_77 = tpu.memref_squeeze %dma_start3A_76 : memref<1x128xi32, #tpu.memory_space<hbm>> -> memref<128xi32, #tpu.memory_space<hbm>>
        tpu.enqueue_dma source(%dma_start3A_77 : memref<128xi32, #tpu.memory_space<hbm>>) target(%arg8 : memref<128xi32, #tpu.memory_space<vmem>>) target_semaphore(%run_scoped3A : memref<!tpu.dma_semaphore, #tpu.memory_space<semaphore_mem>>)
        %dma_wait3A_78 = tpu.memref_slice %arg3[%arg0, %add3A_69] : memref<2x321536xi32, #tpu.memory_space<hbm>> -> memref<1x128xi32, #tpu.memory_space<hbm>>
        %dma_wait3A_79 = tpu.memref_squeeze %dma_wait3A_78 : memref<1x128xi32, #tpu.memory_space<hbm>> -> memref<128xi32, #tpu.memory_space<hbm>>
        %dma_wait3A_80 = tpu.memref_slice %arg3[%arg0, %add3A_69] : memref<2x321536xi32, #tpu.memory_space<hbm>> -> memref<1x128xi32, #tpu.memory_space<hbm>>
        %dma_wait3A_81 = tpu.memref_squeeze %dma_wait3A_80 : memref<1x128xi32, #tpu.memory_space<hbm>> -> memref<128xi32, #tpu.memory_space<hbm>>
        tpu.wait_dma2 semaphore(%run_scoped3A : memref<!tpu.dma_semaphore, #tpu.memory_space<semaphore_mem>>) src(%dma_wait3A_81 : memref<128xi32, #tpu.memory_space<hbm>>) dst(%arg8 : memref<128xi32, #tpu.memory_space<vmem>>)
        tpu.yield
      }) : () -> ()
      "tpu.region"() ({
        %run_scoped3A = tpu.sem_alloc : memref<!tpu.dma_semaphore, #tpu.memory_space<semaphore_mem>>
        %dma_start3A_74 = tpu.memref_slice %arg4[%add3A_69] : memref<321536xi32, #tpu.memory_space<hbm>> -> memref<128xi32, #tpu.memory_space<hbm>>
        %dma_start3A_75 = tpu.memref_slice %arg4[%add3A_69] : memref<321536xi32, #tpu.memory_space<hbm>> -> memref<128xi32, #tpu.memory_space<hbm>>
        tpu.enqueue_dma source(%dma_start3A_75 : memref<128xi32, #tpu.memory_space<hbm>>) target(%arg9 : memref<128xi32, #tpu.memory_space<vmem>>) target_semaphore(%run_scoped3A : memref<!tpu.dma_semaphore, #tpu.memory_space<semaphore_mem>>)
        %dma_wait3A_76 = tpu.memref_slice %arg4[%add3A_69] : memref<321536xi32, #tpu.memory_space<hbm>> -> memref<128xi32, #tpu.memory_space<hbm>>
        %dma_wait3A_77 = tpu.memref_slice %arg4[%add3A_69] : memref<321536xi32, #tpu.memory_space<hbm>> -> memref<128xi32, #tpu.memory_space<hbm>>
        tpu.wait_dma2 semaphore(%run_scoped3A : memref<!tpu.dma_semaphore, #tpu.memory_space<semaphore_mem>>) src(%dma_wait3A_77 : memref<128xi32, #tpu.memory_space<hbm>>) dst(%arg9 : memref<128xi32, #tpu.memory_space<vmem>>)
        tpu.yield
      }) : () -> ()
      %dma_start3A = arith.constant 0 : i32
      %dma_start3A_70 = arith.constant 0 : i32
      %dma_start3A_71 = tpu.memref_slice %arg2[%dma_start3A, %dma_start3A_70] : memref<20480x64xf32, #tpu.memory_space<hbm>> -> memref<20480x64xf32, #tpu.memory_space<hbm>>
      tpu.enqueue_indirect_dma source(%dma_start3A_71 : memref<20480x64xf32, #tpu.memory_space<hbm>>) target(%arg10 : memref<128x64xf32, #tpu.memory_space<vmem>>) offsets(%arg8 : memref<128xi32, #tpu.memory_space<vmem>>) semaphore(%arg12 : memref<!tpu.dma_semaphore, #tpu.memory_space<semaphore_mem>>)
      %dma_wait3A = arith.constant 0 : i32
      %dma_wait3A_72 = arith.constant 0 : i32
      %dma_wait3A_73 = tpu.memref_slice %arg2[%dma_wait3A, %dma_wait3A_72] : memref<20480x64xf32, #tpu.memory_space<hbm>> -> memref<20480x64xf32, #tpu.memory_space<hbm>>
      tpu.wait_indirect_dma semaphore(%arg12 : memref<!tpu.dma_semaphore, #tpu.memory_space<semaphore_mem>>) src(%dma_wait3A_73 : memref<20480x64xf32, #tpu.memory_space<hbm>>) dst(%arg10 : memref<128x64xf32, #tpu.memory_space<vmem>>)
      "tpu.region"() ({
        %run_scoped3A = tpu.sem_alloc : memref<!tpu.dma_semaphore, #tpu.memory_space<semaphore_mem>>
        %dma_start3A_74 = arith.constant 0 : i32
        %dma_start3A_75 = arith.constant 0 : i32
        %dma_start3A_76 = tpu.memref_slice %arg13[%dma_start3A_74, %dma_start3A_75] : memref<10240x64xf32, #tpu.memory_space<vmem_shared>> -> memref<10240x64xf32, #tpu.memory_space<vmem_shared>>
        tpu.enqueue_indirect_dma source(%arg10 : memref<128x64xf32, #tpu.memory_space<vmem>>) target(%dma_start3A_76 : memref<10240x64xf32, #tpu.memory_space<vmem_shared>>) offsets(%arg9 : memref<128xi32, #tpu.memory_space<vmem>>) semaphore(%run_scoped3A : memref<!tpu.dma_semaphore, #tpu.memory_space<semaphore_mem>>) {add = true}
        %dma_wait3A_77 = arith.constant 0 : i32
        %dma_wait3A_78 = arith.constant 0 : i32
        %dma_wait3A_79 = tpu.memref_slice %arg13[%dma_wait3A_77, %dma_wait3A_78] : memref<10240x64xf32, #tpu.memory_space<vmem_shared>> -> memref<10240x64xf32, #tpu.memory_space<vmem_shared>>
        tpu.wait_indirect_dma semaphore(%run_scoped3A : memref<!tpu.dma_semaphore, #tpu.memory_space<semaphore_mem>>) src(%arg10 : memref<128x64xf32, #tpu.memory_space<vmem>>) dst(%dma_wait3A_79 : memref<10240x64xf32, #tpu.memory_space<vmem_shared>>)
        tpu.yield
      }) : () -> ()
    }
    %scan3A_24 = arith.constant 157 : i32
    %barrier3A_25 = arith.constant 0 : index
    tpu.barrier barrier_id(%barrier3A_25)
    %mul3A_26 = arith.constant 640 : i32
    %mul3A_27 = arith.muli %arg1, %mul3A_26 : i32
    %add3A_28 = arith.constant 0 : i32
    %add3A_29 = arith.addi %mul3A_27, %add3A_28 : i32
    "tpu.region"() ({
      %run_scoped3A = tpu.sem_alloc : memref<!tpu.dma_semaphore, #tpu.memory_space<semaphore_mem>>
      %dma_start3A = arith.constant 0 : i32
      %dma_start3A_66 = tpu.memref_slice %arg13[%add3A_29, %dma_start3A] : memref<10240x64xf32, #tpu.memory_space<vmem_shared>> -> memref<128x64xf32, #tpu.memory_space<vmem_shared>>
      %dma_start3A_67 = arith.constant 0 : i32
      %dma_start3A_68 = tpu.memref_slice %arg13[%add3A_29, %dma_start3A_67] : memref<10240x64xf32, #tpu.memory_space<vmem_shared>> -> memref<128x64xf32, #tpu.memory_space<vmem_shared>>
      tpu.enqueue_dma source(%dma_start3A_68 : memref<128x64xf32, #tpu.memory_space<vmem_shared>>) target(%arg10 : memref<128x64xf32, #tpu.memory_space<vmem>>) target_semaphore(%run_scoped3A : memref<!tpu.dma_semaphore, #tpu.memory_space<semaphore_mem>>)
      %dma_wait3A = arith.constant 0 : i32
      %dma_wait3A_69 = tpu.memref_slice %arg13[%add3A_29, %dma_wait3A] : memref<10240x64xf32, #tpu.memory_space<vmem_shared>> -> memref<128x64xf32, #tpu.memory_space<vmem_shared>>
      %dma_wait3A_70 = arith.constant 0 : i32
      %dma_wait3A_71 = tpu.memref_slice %arg13[%add3A_29, %dma_wait3A_70] : memref<10240x64xf32, #tpu.memory_space<vmem_shared>> -> memref<128x64xf32, #tpu.memory_space<vmem_shared>>
      tpu.wait_dma2 semaphore(%run_scoped3A : memref<!tpu.dma_semaphore, #tpu.memory_space<semaphore_mem>>) src(%dma_wait3A_71 : memref<128x64xf32, #tpu.memory_space<vmem_shared>>) dst(%arg10 : memref<128x64xf32, #tpu.memory_space<vmem>>)
      tpu.yield
    }) : () -> ()
    %mul3A_30 = arith.constant 640 : i32
    %mul3A_31 = arith.muli %arg1, %mul3A_30 : i32
    %add3A_32 = arith.constant 0 : i32
    %add3A_33 = arith.addi %mul3A_31, %add3A_32 : i32
    "tpu.region"() ({
      %run_scoped3A = tpu.sem_alloc : memref<!tpu.dma_semaphore, #tpu.memory_space<semaphore_mem>>
      %dma_start3A = arith.constant 0 : i32
      %dma_start3A_66 = tpu.memref_slice %arg7[%arg0, %add3A_33, %dma_start3A] : memref<2x10240x64xf32, #tpu.memory_space<hbm>> -> memref<1x128x64xf32, #tpu.memory_space<hbm>>
      %dma_start3A_67 = tpu.memref_squeeze %dma_start3A_66 : memref<1x128x64xf32, #tpu.memory_space<hbm>> -> memref<128x64xf32, #tpu.memory_space<hbm>>
      %dma_start3A_68 = arith.constant 0 : i32
      %dma_start3A_69 = tpu.memref_slice %arg7[%arg0, %add3A_33, %dma_start3A_68] : memref<2x10240x64xf32, #tpu.memory_space<hbm>> -> memref<1x128x64xf32, #tpu.memory_space<hbm>>
      %dma_start3A_70 = tpu.memref_squeeze %dma_start3A_69 : memref<1x128x64xf32, #tpu.memory_space<hbm>> -> memref<128x64xf32, #tpu.memory_space<hbm>>
      tpu.enqueue_dma source(%arg10 : memref<128x64xf32, #tpu.memory_space<vmem>>) target(%dma_start3A_70 : memref<128x64xf32, #tpu.memory_space<hbm>>) target_semaphore(%run_scoped3A : memref<!tpu.dma_semaphore, #tpu.memory_space<semaphore_mem>>)
      %dma_wait3A = arith.constant 0 : i32
      %dma_wait3A_71 = tpu.memref_slice %arg7[%arg0, %add3A_33, %dma_wait3A] : memref<2x10240x64xf32, #tpu.memory_space<hbm>> -> memref<1x128x64xf32, #tpu.memory_space<hbm>>
      %dma_wait3A_72 = tpu.memref_squeeze %dma_wait3A_71 : memref<1x128x64xf32, #tpu.memory_space<hbm>> -> memref<128x64xf32, #tpu.memory_space<hbm>>
      %dma_wait3A_73 = arith.constant 0 : i32
      %dma_wait3A_74 = tpu.memref_slice %arg7[%arg0, %add3A_33, %dma_wait3A_73] : memref<2x10240x64xf32, #tpu.memory_space<hbm>> -> memref<1x128x64xf32, #tpu.memory_space<hbm>>
      %dma_wait3A_75 = tpu.memref_squeeze %dma_wait3A_74 : memref<1x128x64xf32, #tpu.memory_space<hbm>> -> memref<128x64xf32, #tpu.memory_space<hbm>>
      tpu.wait_dma2 semaphore(%run_scoped3A : memref<!tpu.dma_semaphore, #tpu.memory_space<semaphore_mem>>) src(%arg10 : memref<128x64xf32, #tpu.memory_space<vmem>>) dst(%dma_wait3A_75 : memref<128x64xf32, #tpu.memory_space<hbm>>)
      tpu.yield
    }) : () -> ()
    %mul3A_34 = arith.constant 640 : i32
    %mul3A_35 = arith.muli %arg1, %mul3A_34 : i32
    %add3A_36 = arith.constant 128 : i32
    %add3A_37 = arith.addi %mul3A_35, %add3A_36 : i32
    "tpu.region"() ({
      %run_scoped3A = tpu.sem_alloc : memref<!tpu.dma_semaphore, #tpu.memory_space<semaphore_mem>>
      %dma_start3A = arith.constant 0 : i32
      %dma_start3A_66 = tpu.memref_slice %arg13[%add3A_37, %dma_start3A] : memref<10240x64xf32, #tpu.memory_space<vmem_shared>> -> memref<128x64xf32, #tpu.memory_space<vmem_shared>>
      %dma_start3A_67 = arith.constant 0 : i32
      %dma_start3A_68 = tpu.memref_slice %arg13[%add3A_37, %dma_start3A_67] : memref<10240x64xf32, #tpu.memory_space<vmem_shared>> -> memref<128x64xf32, #tpu.memory_space<vmem_shared>>
      tpu.enqueue_dma source(%dma_start3A_68 : memref<128x64xf32, #tpu.memory_space<vmem_shared>>) target(%arg10 : memref<128x64xf32, #tpu.memory_space<vmem>>) target_semaphore(%run_scoped3A : memref<!tpu.dma_semaphore, #tpu.memory_space<semaphore_mem>>)
      %dma_wait3A = arith.constant 0 : i32
      %dma_wait3A_69 = tpu.memref_slice %arg13[%add3A_37, %dma_wait3A] : memref<10240x64xf32, #tpu.memory_space<vmem_shared>> -> memref<128x64xf32, #tpu.memory_space<vmem_shared>>
      %dma_wait3A_70 = arith.constant 0 : i32
      %dma_wait3A_71 = tpu.memref_slice %arg13[%add3A_37, %dma_wait3A_70] : memref<10240x64xf32, #tpu.memory_space<vmem_shared>> -> memref<128x64xf32, #tpu.memory_space<vmem_shared>>
      tpu.wait_dma2 semaphore(%run_scoped3A : memref<!tpu.dma_semaphore, #tpu.memory_space<semaphore_mem>>) src(%dma_wait3A_71 : memref<128x64xf32, #tpu.memory_space<vmem_shared>>) dst(%arg10 : memref<128x64xf32, #tpu.memory_space<vmem>>)
      tpu.yield
    }) : () -> ()
    %mul3A_38 = arith.constant 640 : i32
    %mul3A_39 = arith.muli %arg1, %mul3A_38 : i32
    %add3A_40 = arith.constant 128 : i32
    %add3A_41 = arith.addi %mul3A_39, %add3A_40 : i32
    "tpu.region"() ({
      %run_scoped3A = tpu.sem_alloc : memref<!tpu.dma_semaphore, #tpu.memory_space<semaphore_mem>>
      %dma_start3A = arith.constant 0 : i32
      %dma_start3A_66 = tpu.memref_slice %arg7[%arg0, %add3A_41, %dma_start3A] : memref<2x10240x64xf32, #tpu.memory_space<hbm>> -> memref<1x128x64xf32, #tpu.memory_space<hbm>>
      %dma_start3A_67 = tpu.memref_squeeze %dma_start3A_66 : memref<1x128x64xf32, #tpu.memory_space<hbm>> -> memref<128x64xf32, #tpu.memory_space<hbm>>
      %dma_start3A_68 = arith.constant 0 : i32
      %dma_start3A_69 = tpu.memref_slice %arg7[%arg0, %add3A_41, %dma_start3A_68] : memref<2x10240x64xf32, #tpu.memory_space<hbm>> -> memref<1x128x64xf32, #tpu.memory_space<hbm>>
      %dma_start3A_70 = tpu.memref_squeeze %dma_start3A_69 : memref<1x128x64xf32, #tpu.memory_space<hbm>> -> memref<128x64xf32, #tpu.memory_space<hbm>>
      tpu.enqueue_dma source(%arg10 : memref<128x64xf32, #tpu.memory_space<vmem>>) target(%dma_start3A_70 : memref<128x64xf32, #tpu.memory_space<hbm>>) target_semaphore(%run_scoped3A : memref<!tpu.dma_semaphore, #tpu.memory_space<semaphore_mem>>)
      %dma_wait3A = arith.constant 0 : i32
      %dma_wait3A_71 = tpu.memref_slice %arg7[%arg0, %add3A_41, %dma_wait3A] : memref<2x10240x64xf32, #tpu.memory_space<hbm>> -> memref<1x128x64xf32, #tpu.memory_space<hbm>>
      %dma_wait3A_72 = tpu.memref_squeeze %dma_wait3A_71 : memref<1x128x64xf32, #tpu.memory_space<hbm>> -> memref<128x64xf32, #tpu.memory_space<hbm>>
      %dma_wait3A_73 = arith.constant 0 : i32
      %dma_wait3A_74 = tpu.memref_slice %arg7[%arg0, %add3A_41, %dma_wait3A_73] : memref<2x10240x64xf32, #tpu.memory_space<hbm>> -> memref<1x128x64xf32, #tpu.memory_space<hbm>>
      %dma_wait3A_75 = tpu.memref_squeeze %dma_wait3A_74 : memref<1x128x64xf32, #tpu.memory_space<hbm>> -> memref<128x64xf32, #tpu.memory_space<hbm>>
      tpu.wait_dma2 semaphore(%run_scoped3A : memref<!tpu.dma_semaphore, #tpu.memory_space<semaphore_mem>>) src(%arg10 : memref<128x64xf32, #tpu.memory_space<vmem>>) dst(%dma_wait3A_75 : memref<128x64xf32, #tpu.memory_space<hbm>>)
      tpu.yield
    }) : () -> ()
    %mul3A_42 = arith.constant 640 : i32
    %mul3A_43 = arith.muli %arg1, %mul3A_42 : i32
    %add3A_44 = arith.constant 256 : i32
    %add3A_45 = arith.addi %mul3A_43, %add3A_44 : i32
    "tpu.region"() ({
      %run_scoped3A = tpu.sem_alloc : memref<!tpu.dma_semaphore, #tpu.memory_space<semaphore_mem>>
      %dma_start3A = arith.constant 0 : i32
      %dma_start3A_66 = tpu.memref_slice %arg13[%add3A_45, %dma_start3A] : memref<10240x64xf32, #tpu.memory_space<vmem_shared>> -> memref<128x64xf32, #tpu.memory_space<vmem_shared>>
      %dma_start3A_67 = arith.constant 0 : i32
      %dma_start3A_68 = tpu.memref_slice %arg13[%add3A_45, %dma_start3A_67] : memref<10240x64xf32, #tpu.memory_space<vmem_shared>> -> memref<128x64xf32, #tpu.memory_space<vmem_shared>>
      tpu.enqueue_dma source(%dma_start3A_68 : memref<128x64xf32, #tpu.memory_space<vmem_shared>>) target(%arg10 : memref<128x64xf32, #tpu.memory_space<vmem>>) target_semaphore(%run_scoped3A : memref<!tpu.dma_semaphore, #tpu.memory_space<semaphore_mem>>)
      %dma_wait3A = arith.constant 0 : i32
      %dma_wait3A_69 = tpu.memref_slice %arg13[%add3A_45, %dma_wait3A] : memref<10240x64xf32, #tpu.memory_space<vmem_shared>> -> memref<128x64xf32, #tpu.memory_space<vmem_shared>>
      %dma_wait3A_70 = arith.constant 0 : i32
      %dma_wait3A_71 = tpu.memref_slice %arg13[%add3A_45, %dma_wait3A_70] : memref<10240x64xf32, #tpu.memory_space<vmem_shared>> -> memref<128x64xf32, #tpu.memory_space<vmem_shared>>
      tpu.wait_dma2 semaphore(%run_scoped3A : memref<!tpu.dma_semaphore, #tpu.memory_space<semaphore_mem>>) src(%dma_wait3A_71 : memref<128x64xf32, #tpu.memory_space<vmem_shared>>) dst(%arg10 : memref<128x64xf32, #tpu.memory_space<vmem>>)
      tpu.yield
    }) : () -> ()
    %mul3A_46 = arith.constant 640 : i32
    %mul3A_47 = arith.muli %arg1, %mul3A_46 : i32
    %add3A_48 = arith.constant 256 : i32
    %add3A_49 = arith.addi %mul3A_47, %add3A_48 : i32
    "tpu.region"() ({
      %run_scoped3A = tpu.sem_alloc : memref<!tpu.dma_semaphore, #tpu.memory_space<semaphore_mem>>
      %dma_start3A = arith.constant 0 : i32
      %dma_start3A_66 = tpu.memref_slice %arg7[%arg0, %add3A_49, %dma_start3A] : memref<2x10240x64xf32, #tpu.memory_space<hbm>> -> memref<1x128x64xf32, #tpu.memory_space<hbm>>
      %dma_start3A_67 = tpu.memref_squeeze %dma_start3A_66 : memref<1x128x64xf32, #tpu.memory_space<hbm>> -> memref<128x64xf32, #tpu.memory_space<hbm>>
      %dma_start3A_68 = arith.constant 0 : i32
      %dma_start3A_69 = tpu.memref_slice %arg7[%arg0, %add3A_49, %dma_start3A_68] : memref<2x10240x64xf32, #tpu.memory_space<hbm>> -> memref<1x128x64xf32, #tpu.memory_space<hbm>>
      %dma_start3A_70 = tpu.memref_squeeze %dma_start3A_69 : memref<1x128x64xf32, #tpu.memory_space<hbm>> -> memref<128x64xf32, #tpu.memory_space<hbm>>
      tpu.enqueue_dma source(%arg10 : memref<128x64xf32, #tpu.memory_space<vmem>>) target(%dma_start3A_70 : memref<128x64xf32, #tpu.memory_space<hbm>>) target_semaphore(%run_scoped3A : memref<!tpu.dma_semaphore, #tpu.memory_space<semaphore_mem>>)
      %dma_wait3A = arith.constant 0 : i32
      %dma_wait3A_71 = tpu.memref_slice %arg7[%arg0, %add3A_49, %dma_wait3A] : memref<2x10240x64xf32, #tpu.memory_space<hbm>> -> memref<1x128x64xf32, #tpu.memory_space<hbm>>
      %dma_wait3A_72 = tpu.memref_squeeze %dma_wait3A_71 : memref<1x128x64xf32, #tpu.memory_space<hbm>> -> memref<128x64xf32, #tpu.memory_space<hbm>>
      %dma_wait3A_73 = arith.constant 0 : i32
      %dma_wait3A_74 = tpu.memref_slice %arg7[%arg0, %add3A_49, %dma_wait3A_73] : memref<2x10240x64xf32, #tpu.memory_space<hbm>> -> memref<1x128x64xf32, #tpu.memory_space<hbm>>
      %dma_wait3A_75 = tpu.memref_squeeze %dma_wait3A_74 : memref<1x128x64xf32, #tpu.memory_space<hbm>> -> memref<128x64xf32, #tpu.memory_space<hbm>>
      tpu.wait_dma2 semaphore(%run_scoped3A : memref<!tpu.dma_semaphore, #tpu.memory_space<semaphore_mem>>) src(%arg10 : memref<128x64xf32, #tpu.memory_space<vmem>>) dst(%dma_wait3A_75 : memref<128x64xf32, #tpu.memory_space<hbm>>)
      tpu.yield
    }) : () -> ()
    %mul3A_50 = arith.constant 640 : i32
    %mul3A_51 = arith.muli %arg1, %mul3A_50 : i32
    %add3A_52 = arith.constant 384 : i32
    %add3A_53 = arith.addi %mul3A_51, %add3A_52 : i32
    "tpu.region"() ({
      %run_scoped3A = tpu.sem_alloc : memref<!tpu.dma_semaphore, #tpu.memory_space<semaphore_mem>>
      %dma_start3A = arith.constant 0 : i32
      %dma_start3A_66 = tpu.memref_slice %arg13[%add3A_53, %dma_start3A] : memref<10240x64xf32, #tpu.memory_space<vmem_shared>> -> memref<128x64xf32, #tpu.memory_space<vmem_shared>>
      %dma_start3A_67 = arith.constant 0 : i32
      %dma_start3A_68 = tpu.memref_slice %arg13[%add3A_53, %dma_start3A_67] : memref<10240x64xf32, #tpu.memory_space<vmem_shared>> -> memref<128x64xf32, #tpu.memory_space<vmem_shared>>
      tpu.enqueue_dma source(%dma_start3A_68 : memref<128x64xf32, #tpu.memory_space<vmem_shared>>) target(%arg10 : memref<128x64xf32, #tpu.memory_space<vmem>>) target_semaphore(%run_scoped3A : memref<!tpu.dma_semaphore, #tpu.memory_space<semaphore_mem>>)
      %dma_wait3A = arith.constant 0 : i32
      %dma_wait3A_69 = tpu.memref_slice %arg13[%add3A_53, %dma_wait3A] : memref<10240x64xf32, #tpu.memory_space<vmem_shared>> -> memref<128x64xf32, #tpu.memory_space<vmem_shared>>
      %dma_wait3A_70 = arith.constant 0 : i32
      %dma_wait3A_71 = tpu.memref_slice %arg13[%add3A_53, %dma_wait3A_70] : memref<10240x64xf32, #tpu.memory_space<vmem_shared>> -> memref<128x64xf32, #tpu.memory_space<vmem_shared>>
      tpu.wait_dma2 semaphore(%run_scoped3A : memref<!tpu.dma_semaphore, #tpu.memory_space<semaphore_mem>>) src(%dma_wait3A_71 : memref<128x64xf32, #tpu.memory_space<vmem_shared>>) dst(%arg10 : memref<128x64xf32, #tpu.memory_space<vmem>>)
      tpu.yield
    }) : () -> ()
    %mul3A_54 = arith.constant 640 : i32
    %mul3A_55 = arith.muli %arg1, %mul3A_54 : i32
    %add3A_56 = arith.constant 384 : i32
    %add3A_57 = arith.addi %mul3A_55, %add3A_56 : i32
    "tpu.region"() ({
      %run_scoped3A = tpu.sem_alloc : memref<!tpu.dma_semaphore, #tpu.memory_space<semaphore_mem>>
      %dma_start3A = arith.constant 0 : i32
      %dma_start3A_66 = tpu.memref_slice %arg7[%arg0, %add3A_57, %dma_start3A] : memref<2x10240x64xf32, #tpu.memory_space<hbm>> -> memref<1x128x64xf32, #tpu.memory_space<hbm>>
      %dma_start3A_67 = tpu.memref_squeeze %dma_start3A_66 : memref<1x128x64xf32, #tpu.memory_space<hbm>> -> memref<128x64xf32, #tpu.memory_space<hbm>>
      %dma_start3A_68 = arith.constant 0 : i32
      %dma_start3A_69 = tpu.memref_slice %arg7[%arg0, %add3A_57, %dma_start3A_68] : memref<2x10240x64xf32, #tpu.memory_space<hbm>> -> memref<1x128x64xf32, #tpu.memory_space<hbm>>
      %dma_start3A_70 = tpu.memref_squeeze %dma_start3A_69 : memref<1x128x64xf32, #tpu.memory_space<hbm>> -> memref<128x64xf32, #tpu.memory_space<hbm>>
      tpu.enqueue_dma source(%arg10 : memref<128x64xf32, #tpu.memory_space<vmem>>) target(%dma_start3A_70 : memref<128x64xf32, #tpu.memory_space<hbm>>) target_semaphore(%run_scoped3A : memref<!tpu.dma_semaphore, #tpu.memory_space<semaphore_mem>>)
      %dma_wait3A = arith.constant 0 : i32
      %dma_wait3A_71 = tpu.memref_slice %arg7[%arg0, %add3A_57, %dma_wait3A] : memref<2x10240x64xf32, #tpu.memory_space<hbm>> -> memref<1x128x64xf32, #tpu.memory_space<hbm>>
      %dma_wait3A_72 = tpu.memref_squeeze %dma_wait3A_71 : memref<1x128x64xf32, #tpu.memory_space<hbm>> -> memref<128x64xf32, #tpu.memory_space<hbm>>
      %dma_wait3A_73 = arith.constant 0 : i32
      %dma_wait3A_74 = tpu.memref_slice %arg7[%arg0, %add3A_57, %dma_wait3A_73] : memref<2x10240x64xf32, #tpu.memory_space<hbm>> -> memref<1x128x64xf32, #tpu.memory_space<hbm>>
      %dma_wait3A_75 = tpu.memref_squeeze %dma_wait3A_74 : memref<1x128x64xf32, #tpu.memory_space<hbm>> -> memref<128x64xf32, #tpu.memory_space<hbm>>
      tpu.wait_dma2 semaphore(%run_scoped3A : memref<!tpu.dma_semaphore, #tpu.memory_space<semaphore_mem>>) src(%arg10 : memref<128x64xf32, #tpu.memory_space<vmem>>) dst(%dma_wait3A_75 : memref<128x64xf32, #tpu.memory_space<hbm>>)
      tpu.yield
    }) : () -> ()
    %mul3A_58 = arith.constant 640 : i32
    %mul3A_59 = arith.muli %arg1, %mul3A_58 : i32
    %add3A_60 = arith.constant 512 : i32
    %add3A_61 = arith.addi %mul3A_59, %add3A_60 : i32
    "tpu.region"() ({
      %run_scoped3A = tpu.sem_alloc : memref<!tpu.dma_semaphore, #tpu.memory_space<semaphore_mem>>
      %dma_start3A = arith.constant 0 : i32
      %dma_start3A_66 = tpu.memref_slice %arg13[%add3A_61, %dma_start3A] : memref<10240x64xf32, #tpu.memory_space<vmem_shared>> -> memref<128x64xf32, #tpu.memory_space<vmem_shared>>
      %dma_start3A_67 = arith.constant 0 : i32
      %dma_start3A_68 = tpu.memref_slice %arg13[%add3A_61, %dma_start3A_67] : memref<10240x64xf32, #tpu.memory_space<vmem_shared>> -> memref<128x64xf32, #tpu.memory_space<vmem_shared>>
      tpu.enqueue_dma source(%dma_start3A_68 : memref<128x64xf32, #tpu.memory_space<vmem_shared>>) target(%arg10 : memref<128x64xf32, #tpu.memory_space<vmem>>) target_semaphore(%run_scoped3A : memref<!tpu.dma_semaphore, #tpu.memory_space<semaphore_mem>>)
      %dma_wait3A = arith.constant 0 : i32
      %dma_wait3A_69 = tpu.memref_slice %arg13[%add3A_61, %dma_wait3A] : memref<10240x64xf32, #tpu.memory_space<vmem_shared>> -> memref<128x64xf32, #tpu.memory_space<vmem_shared>>
      %dma_wait3A_70 = arith.constant 0 : i32
      %dma_wait3A_71 = tpu.memref_slice %arg13[%add3A_61, %dma_wait3A_70] : memref<10240x64xf32, #tpu.memory_space<vmem_shared>> -> memref<128x64xf32, #tpu.memory_space<vmem_shared>>
      tpu.wait_dma2 semaphore(%run_scoped3A : memref<!tpu.dma_semaphore, #tpu.memory_space<semaphore_mem>>) src(%dma_wait3A_71 : memref<128x64xf32, #tpu.memory_space<vmem_shared>>) dst(%arg10 : memref<128x64xf32, #tpu.memory_space<vmem>>)
      tpu.yield
    }) : () -> ()
    %mul3A_62 = arith.constant 640 : i32
    %mul3A_63 = arith.muli %arg1, %mul3A_62 : i32
    %add3A_64 = arith.constant 512 : i32
    %add3A_65 = arith.addi %mul3A_63, %add3A_64 : i32
    "tpu.region"() ({
      %run_scoped3A = tpu.sem_alloc : memref<!tpu.dma_semaphore, #tpu.memory_space<semaphore_mem>>
      %dma_start3A = arith.constant 0 : i32
      %dma_start3A_66 = tpu.memref_slice %arg7[%arg0, %add3A_65, %dma_start3A] : memref<2x10240x64xf32, #tpu.memory_space<hbm>> -> memref<1x128x64xf32, #tpu.memory_space<hbm>>
      %dma_start3A_67 = tpu.memref_squeeze %dma_start3A_66 : memref<1x128x64xf32, #tpu.memory_space<hbm>> -> memref<128x64xf32, #tpu.memory_space<hbm>>
      %dma_start3A_68 = arith.constant 0 : i32
      %dma_start3A_69 = tpu.memref_slice %arg7[%arg0, %add3A_65, %dma_start3A_68] : memref<2x10240x64xf32, #tpu.memory_space<hbm>> -> memref<1x128x64xf32, #tpu.memory_space<hbm>>
      %dma_start3A_70 = tpu.memref_squeeze %dma_start3A_69 : memref<1x128x64xf32, #tpu.memory_space<hbm>> -> memref<128x64xf32, #tpu.memory_space<hbm>>
      tpu.enqueue_dma source(%arg10 : memref<128x64xf32, #tpu.memory_space<vmem>>) target(%dma_start3A_70 : memref<128x64xf32, #tpu.memory_space<hbm>>) target_semaphore(%run_scoped3A : memref<!tpu.dma_semaphore, #tpu.memory_space<semaphore_mem>>)
      %dma_wait3A = arith.constant 0 : i32
      %dma_wait3A_71 = tpu.memref_slice %arg7[%arg0, %add3A_65, %dma_wait3A] : memref<2x10240x64xf32, #tpu.memory_space<hbm>> -> memref<1x128x64xf32, #tpu.memory_space<hbm>>
      %dma_wait3A_72 = tpu.memref_squeeze %dma_wait3A_71 : memref<1x128x64xf32, #tpu.memory_space<hbm>> -> memref<128x64xf32, #tpu.memory_space<hbm>>
      %dma_wait3A_73 = arith.constant 0 : i32
      %dma_wait3A_74 = tpu.memref_slice %arg7[%arg0, %add3A_65, %dma_wait3A_73] : memref<2x10240x64xf32, #tpu.memory_space<hbm>> -> memref<1x128x64xf32, #tpu.memory_space<hbm>>
      %dma_wait3A_75 = tpu.memref_squeeze %dma_wait3A_74 : memref<1x128x64xf32, #tpu.memory_space<hbm>> -> memref<128x64xf32, #tpu.memory_space<hbm>>
      tpu.wait_dma2 semaphore(%run_scoped3A : memref<!tpu.dma_semaphore, #tpu.memory_space<semaphore_mem>>) src(%arg10 : memref<128x64xf32, #tpu.memory_space<vmem>>) dst(%dma_wait3A_75 : memref<128x64xf32, #tpu.memory_space<hbm>>)
      tpu.yield
    }) : () -> ()
    return
  }
}

module attributes {stable_mosaic.version = 14 : i64} {
  func.func @body(%arg0: i32, %arg1: memref<1024x128xf32, #tpu.memory_space<vmem>>, %arg2: memref<128x128xf32, #tpu.memory_space<vmem>>, %arg3: memref<1x128xf32, #tpu.memory_space<vmem>>, %arg4: memref<1024x128xf32, #tpu.memory_space<vmem>>) attributes {dimension_semantics = [#tpu.dimension_semantics<arbitrary>], iteration_bounds = array<i64: 10>, scalar_prefetch = 0 : i64, scratch_operands = 0 : i64, tpu.core_type = #tpu.core_type<tc>, window_params = [{transform_indices = @transform_0, window_bounds = array<i64: 1024, 128>}, {pipeline_mode = #tpu.pipeline_mode<synchronous>, transform_indices = @transform_1, window_bounds = array<i64: 128, 128>}, {pipeline_mode = #tpu.pipeline_mode<synchronous>, transform_indices = @transform_2, window_bounds = array<i64: 1, 128>}, {transform_indices = @transform_3, window_bounds = array<i64: 1024, 128>}]} {
    %get3A = arith.constant 0 : index
    %get3A_0 = arith.constant 0 : index
    %get3A_1 = vector.load %arg1[%get3A, %get3A_0] : memref<1024x128xf32, #tpu.memory_space<vmem>>, vector<1024x128xf32>
    %get3A_2 = arith.constant 0 : index
    %get3A_3 = arith.constant 0 : index
    %get3A_4 = vector.load %arg2[%get3A_2, %get3A_3] : memref<128x128xf32, #tpu.memory_space<vmem>>, vector<128x128xf32>
    %dot_general3A = arith.constant dense<0.000000e+00> : vector<1024x128xf32>
    %dot_general3A_5 = tpu.matmul %get3A_1, %get3A_4, %dot_general3A {dimension_numbers = #tpu.dot_dimension_numbers<[1], [0], [0], [1], [0, 0, 1, 1], [], []>, transpose_lhs_hint = false} : vector<1024x128xf32>, vector<128x128xf32>, vector<1024x128xf32> -> vector<1024x128xf32>
    %get3A_6 = arith.constant 0 : index
    %get3A_7 = arith.constant 0 : index
    %get3A_8 = vector.load %arg3[%get3A_6, %get3A_7] : memref<1x128xf32, #tpu.memory_space<vmem>>, vector<1x128xf32>
    %add3A = vector.broadcast %get3A_8 : vector<1x128xf32> to vector<1024x128xf32>
    %add3A_9 = arith.addf %dot_general3A_5, %add3A : vector<1024x128xf32>
    %swap3A = arith.constant 0 : index
    %swap3A_10 = arith.constant 0 : index
    %swap3A_11 = vector.load %arg4[%swap3A, %swap3A_10] : memref<1024x128xf32, #tpu.memory_space<vmem>>, vector<1024x128xf32>
    tpu.vector_store %arg4[%swap3A, %swap3A_10], %add3A_9 {strides = array<i32>} : memref<1024x128xf32, #tpu.memory_space<vmem>>, vector<1024x128xf32>,
    return
  }
  func.func @transform_0(%arg0: i32) -> (i32, i32) {
    %c0_i32 = arith.constant 0 : i32
    %c0_i32_0 = arith.constant 0 : i32
    return %arg0, %c0_i32 : i32, i32
  }
  func.func @transform_1(%arg0: i32) -> (i32, i32) {
    %c0_i32 = arith.constant 0 : i32
    %c0_i32_0 = arith.constant 0 : i32
    %c0_i32_1 = arith.constant 0 : i32
    return %c0_i32, %c0_i32_0 : i32, i32
  }
  func.func @transform_2(%arg0: i32) -> (i32, i32) {
    %c0_i32 = arith.constant 0 : i32
    %c0_i32_0 = arith.constant 0 : i32
    %c0_i32_1 = arith.constant 0 : i32
    return %c0_i32, %c0_i32_0 : i32, i32
  }
  func.func @transform_3(%arg0: i32) -> (i32, i32) {
    %c0_i32 = arith.constant 0 : i32
    %c0_i32_0 = arith.constant 0 : i32
    return %arg0, %c0_i32 : i32, i32
  }
}

module attributes {stable_mosaic.version = 14 : i64} {
  func.func @body(%arg0: i32, %arg1: memref<1024x64xf32, #tpu.memory_space<vmem>>, %arg2: memref<1024x64xf32, #tpu.memory_space<vmem>>, %arg3: memref<1024x1xf32, #tpu.memory_space<vmem>>, %arg4: memref<1024x128xf32, #tpu.memory_space<vmem>>, %arg5: memref<128x128xf32, #tpu.memory_space<vmem>>, %arg6: memref<1024x128xf32, #tpu.memory_space<vmem>>) attributes {dimension_semantics = [#tpu.dimension_semantics<arbitrary>], iteration_bounds = array<i64: 10>, scalar_prefetch = 0 : i64, scratch_operands = 0 : i64, tpu.core_type = #tpu.core_type<tc>, window_params = [{transform_indices = @transform_0, window_bounds = array<i64: 1024, 64>}, {transform_indices = @transform_1, window_bounds = array<i64: 1024, 64>}, {transform_indices = @transform_2, window_bounds = array<i64: 1024, 1>}, {transform_indices = @transform_3, window_bounds = array<i64: 1024, 128>}, {pipeline_mode = #tpu.pipeline_mode<synchronous>, transform_indices = @transform_4, window_bounds = array<i64: 128, 128>}, {transform_indices = @transform_5, window_bounds = array<i64: 1024, 128>}]} {
    %get3A = arith.constant 0 : index
    %get3A_0 = arith.constant 0 : index
    %get3A_1 = vector.load %arg3[%get3A, %get3A_0] : memref<1024x1xf32, #tpu.memory_space<vmem>>, vector<1024x1xf32>
    %max3A = arith.constant 1.000000e+00 : f32
    %max3A_2 = vector.broadcast %max3A : f32 to vector<1024x1xf32>
    %max3A_3 = arith.maximumf %get3A_1, %max3A_2 : vector<1024x1xf32>
    %div3A = arith.constant 1.000000e+00 : f32
    %div3A_4 = vector.broadcast %div3A : f32 to vector<1024x1xf32>
    %div3A_5 = arith.divf %div3A_4, %max3A_3 : vector<1024x1xf32>
    %get3A_6 = arith.constant 0 : index
    %get3A_7 = arith.constant 0 : index
    %get3A_8 = vector.load %arg1[%get3A_6, %get3A_7] : memref<1024x64xf32, #tpu.memory_space<vmem>>, vector<1024x64xf32>
    %get3A_9 = arith.constant 0 : index
    %get3A_10 = arith.constant 0 : index
    %get3A_11 = vector.load %arg2[%get3A_9, %get3A_10] : memref<1024x64xf32, #tpu.memory_space<vmem>>, vector<1024x64xf32>
    %concatenate3A = tpu.concatenate %get3A_8, %get3A_11 in 1 : vector<1024x64xf32>, vector<1024x64xf32> -> vector<1024x128xf32>
    %mul3A = vector.broadcast %div3A_5 : vector<1024x1xf32> to vector<1024x128xf32>
    %mul3A_12 = arith.mulf %concatenate3A, %mul3A : vector<1024x128xf32>
    %get3A_13 = arith.constant 0 : index
    %get3A_14 = arith.constant 0 : index
    %get3A_15 = vector.load %arg5[%get3A_13, %get3A_14] : memref<128x128xf32, #tpu.memory_space<vmem>>, vector<128x128xf32>
    %dot_general3A = arith.constant dense<0.000000e+00> : vector<1024x128xf32>
    %dot_general3A_16 = tpu.matmul %mul3A_12, %get3A_15, %dot_general3A {dimension_numbers = #tpu.dot_dimension_numbers<[1], [0], [0], [1], [0, 0, 1, 1], [], []>, transpose_lhs_hint = false} : vector<1024x128xf32>, vector<128x128xf32>, vector<1024x128xf32> -> vector<1024x128xf32>
    %get3A_17 = arith.constant 0 : index
    %get3A_18 = arith.constant 0 : index
    %get3A_19 = vector.load %arg4[%get3A_17, %get3A_18] : memref<1024x128xf32, #tpu.memory_space<vmem>>, vector<1024x128xf32>
    %add3A = arith.addf %dot_general3A_16, %get3A_19 : vector<1024x128xf32>
    %max3A_20 = arith.constant 0.000000e+00 : f32
    %max3A_21 = vector.broadcast %max3A_20 : f32 to vector<1024x128xf32>
    %max3A_22 = arith.maximumf %add3A, %max3A_21 : vector<1024x128xf32>
    %swap3A = arith.constant 0 : index
    %swap3A_23 = arith.constant 0 : index
    %swap3A_24 = vector.load %arg6[%swap3A, %swap3A_23] : memref<1024x128xf32, #tpu.memory_space<vmem>>, vector<1024x128xf32>
    tpu.vector_store %arg6[%swap3A, %swap3A_23], %max3A_22 {strides = array<i32>} : memref<1024x128xf32, #tpu.memory_space<vmem>>, vector<1024x128xf32>,
    return
  }
  func.func @transform_0(%arg0: i32) -> (i32, i32) {
    %c0_i32 = arith.constant 0 : i32
    %c0_i32_0 = arith.constant 0 : i32
    return %arg0, %c0_i32 : i32, i32
  }
  func.func @transform_1(%arg0: i32) -> (i32, i32) {
    %c0_i32 = arith.constant 0 : i32
    %c0_i32_0 = arith.constant 0 : i32
    return %arg0, %c0_i32 : i32, i32
  }
  func.func @transform_2(%arg0: i32) -> (i32, i32) {
    %c0_i32 = arith.constant 0 : i32
    %c0_i32_0 = arith.constant 0 : i32
    return %arg0, %c0_i32 : i32, i32
  }
  func.func @transform_3(%arg0: i32) -> (i32, i32) {
    %c0_i32 = arith.constant 0 : i32
    %c0_i32_0 = arith.constant 0 : i32
    return %arg0, %c0_i32 : i32, i32
  }
  func.func @transform_4(%arg0: i32) -> (i32, i32) {
    %c0_i32 = arith.constant 0 : i32
    %c0_i32_0 = arith.constant 0 : i32
    %c0_i32_1 = arith.constant 0 : i32
    return %c0_i32, %c0_i32_0 : i32, i32
  }
  func.func @transform_5(%arg0: i32) -> (i32, i32) {
    %c0_i32 = arith.constant 0 : i32
    %c0_i32_0 = arith.constant 0 : i32
    return %arg0, %c0_i32 : i32, i32
  }
}

module attributes {stable_mosaic.version = 14 : i64} {
  func.func @body(%arg0: i32, %arg1: memref<1024x64xf32, #tpu.memory_space<vmem>>, %arg2: memref<1024x64xf32, #tpu.memory_space<vmem>>, %arg3: memref<1024x1xf32, #tpu.memory_space<vmem>>, %arg4: memref<1024x128xf32, #tpu.memory_space<vmem>>, %arg5: memref<128x128xf32, #tpu.memory_space<vmem>>, %arg6: memref<128x32xf32, #tpu.memory_space<vmem>>, %arg7: memref<1x32xf32, #tpu.memory_space<vmem>>, %arg8: memref<128x16xf32, #tpu.memory_space<vmem>>, %arg9: memref<1x16xf32, #tpu.memory_space<vmem>>, %arg10: memref<128x8xf32, #tpu.memory_space<vmem>>, %arg11: memref<32x8xf32, #tpu.memory_space<vmem>>, %arg12: memref<16x8xf32, #tpu.memory_space<vmem>>, %arg13: memref<1x8xf32, #tpu.memory_space<vmem>>, %arg14: memref<1024x32xf32, #tpu.memory_space<vmem>>, %arg15: memref<1024x16xf32, #tpu.memory_space<vmem>>, %arg16: memref<1024x8xf32, #tpu.memory_space<vmem>>) attributes {dimension_semantics = [#tpu.dimension_semantics<arbitrary>], iteration_bounds = array<i64: 10>, scalar_prefetch = 0 : i64, scratch_operands = 0 : i64, tpu.core_type = #tpu.core_type<tc>, window_params = [{transform_indices = @transform_0, window_bounds = array<i64: 1024, 64>}, {transform_indices = @transform_1, window_bounds = array<i64: 1024, 64>}, {transform_indices = @transform_2, window_bounds = array<i64: 1024, 1>}, {transform_indices = @transform_3, window_bounds = array<i64: 1024, 128>}, {pipeline_mode = #tpu.pipeline_mode<synchronous>, transform_indices = @transform_4, window_bounds = array<i64: 128, 128>}, {pipeline_mode = #tpu.pipeline_mode<synchronous>, transform_indices = @transform_5, window_bounds = array<i64: 128, 32>}, {pipeline_mode = #tpu.pipeline_mode<synchronous>, transform_indices = @transform_6, window_bounds = array<i64: 1, 32>}, {pipeline_mode = #tpu.pipeline_mode<synchronous>, transform_indices = @transform_7, window_bounds = array<i64: 128, 16>}, {pipeline_mode = #tpu.pipeline_mode<synchronous>, transform_indices = @transform_8, window_bounds = array<i64: 1, 16>}, {pipeline_mode = #tpu.pipeline_mode<synchronous>, transform_indices = @transform_9, window_bounds = array<i64: 128, 8>}, {pipeline_mode = #tpu.pipeline_mode<synchronous>, transform_indices = @transform_10, window_bounds = array<i64: 32, 8>}, {pipeline_mode = #tpu.pipeline_mode<synchronous>, transform_indices = @transform_11, window_bounds = array<i64: 16, 8>}, {pipeline_mode = #tpu.pipeline_mode<synchronous>, transform_indices = @transform_12, window_bounds = array<i64: 1, 8>}, {transform_indices = @transform_13, window_bounds = array<i64: 1024, 32>}, {transform_indices = @transform_14, window_bounds = array<i64: 1024, 16>}, {transform_indices = @transform_15, window_bounds = array<i64: 1024, 8>}]} {
    %get3A = arith.constant 0 : index
    %get3A_0 = arith.constant 0 : index
    %get3A_1 = vector.load %arg3[%get3A, %get3A_0] : memref<1024x1xf32, #tpu.memory_space<vmem>>, vector<1024x1xf32>
    %max3A = arith.constant 1.000000e+00 : f32
    %max3A_2 = vector.broadcast %max3A : f32 to vector<1024x1xf32>
    %max3A_3 = arith.maximumf %get3A_1, %max3A_2 : vector<1024x1xf32>
    %div3A = arith.constant 1.000000e+00 : f32
    %div3A_4 = vector.broadcast %div3A : f32 to vector<1024x1xf32>
    %div3A_5 = arith.divf %div3A_4, %max3A_3 : vector<1024x1xf32>
    %get3A_6 = arith.constant 0 : index
    %get3A_7 = arith.constant 0 : index
    %get3A_8 = vector.load %arg1[%get3A_6, %get3A_7] : memref<1024x64xf32, #tpu.memory_space<vmem>>, vector<1024x64xf32>
    %get3A_9 = arith.constant 0 : index
    %get3A_10 = arith.constant 0 : index
    %get3A_11 = vector.load %arg2[%get3A_9, %get3A_10] : memref<1024x64xf32, #tpu.memory_space<vmem>>, vector<1024x64xf32>
    %concatenate3A = tpu.concatenate %get3A_8, %get3A_11 in 1 : vector<1024x64xf32>, vector<1024x64xf32> -> vector<1024x128xf32>
    %mul3A = vector.broadcast %div3A_5 : vector<1024x1xf32> to vector<1024x128xf32>
    %mul3A_12 = arith.mulf %concatenate3A, %mul3A : vector<1024x128xf32>
    %get3A_13 = arith.constant 0 : index
    %get3A_14 = arith.constant 0 : index
    %get3A_15 = vector.load %arg5[%get3A_13, %get3A_14] : memref<128x128xf32, #tpu.memory_space<vmem>>, vector<128x128xf32>
    %dot_general3A = arith.constant dense<0.000000e+00> : vector<1024x128xf32>
    %dot_general3A_16 = tpu.matmul %mul3A_12, %get3A_15, %dot_general3A {dimension_numbers = #tpu.dot_dimension_numbers<[1], [0], [0], [1], [0, 0, 1, 1], [], []>, transpose_lhs_hint = false} : vector<1024x128xf32>, vector<128x128xf32>, vector<1024x128xf32> -> vector<1024x128xf32>
    %get3A_17 = arith.constant 0 : index
    %get3A_18 = arith.constant 0 : index
    %get3A_19 = vector.load %arg4[%get3A_17, %get3A_18] : memref<1024x128xf32, #tpu.memory_space<vmem>>, vector<1024x128xf32>
    %add3A = arith.addf %dot_general3A_16, %get3A_19 : vector<1024x128xf32>
    %max3A_20 = arith.constant 0.000000e+00 : f32
    %max3A_21 = vector.broadcast %max3A_20 : f32 to vector<1024x128xf32>
    %max3A_22 = arith.maximumf %add3A, %max3A_21 : vector<1024x128xf32>
    %get3A_23 = arith.constant 0 : index
    %get3A_24 = arith.constant 0 : index
    %get3A_25 = vector.load %arg6[%get3A_23, %get3A_24] : memref<128x32xf32, #tpu.memory_space<vmem>>, vector<128x32xf32>
    %dot_general3A_26 = arith.constant dense<0.000000e+00> : vector<1024x32xf32>
    %dot_general3A_27 = tpu.matmul %max3A_22, %get3A_25, %dot_general3A_26 {dimension_numbers = #tpu.dot_dimension_numbers<[1], [0], [0], [1], [0, 0, 1, 1], [], []>, transpose_lhs_hint = false} : vector<1024x128xf32>, vector<128x32xf32>, vector<1024x32xf32> -> vector<1024x32xf32>
    %get3A_28 = arith.constant 0 : index
    %get3A_29 = arith.constant 0 : index
    %get3A_30 = vector.load %arg7[%get3A_28, %get3A_29] : memref<1x32xf32, #tpu.memory_space<vmem>>, vector<1x32xf32>
    %add3A_31 = vector.broadcast %get3A_30 : vector<1x32xf32> to vector<1024x32xf32>
    %add3A_32 = arith.addf %dot_general3A_27, %add3A_31 : vector<1024x32xf32>
    %get3A_33 = arith.constant 0 : index
    %get3A_34 = arith.constant 0 : index
    %get3A_35 = vector.load %arg8[%get3A_33, %get3A_34] : memref<128x16xf32, #tpu.memory_space<vmem>>, vector<128x16xf32>
    %dot_general3A_36 = arith.constant dense<0.000000e+00> : vector<1024x16xf32>
    %dot_general3A_37 = tpu.matmul %max3A_22, %get3A_35, %dot_general3A_36 {dimension_numbers = #tpu.dot_dimension_numbers<[1], [0], [0], [1], [0, 0, 1, 1], [], []>, transpose_lhs_hint = false} : vector<1024x128xf32>, vector<128x16xf32>, vector<1024x16xf32> -> vector<1024x16xf32>
    %get3A_38 = arith.constant 0 : index
    %get3A_39 = arith.constant 0 : index
    %get3A_40 = vector.load %arg9[%get3A_38, %get3A_39] : memref<1x16xf32, #tpu.memory_space<vmem>>, vector<1x16xf32>
    %add3A_41 = vector.broadcast %get3A_40 : vector<1x16xf32> to vector<1024x16xf32>
    %add3A_42 = arith.addf %dot_general3A_37, %add3A_41 : vector<1024x16xf32>
    %neg3A = arith.constant 0.000000e+00 : f32
    %neg3A_43 = vector.broadcast %neg3A : f32 to vector<1024x32xf32>
    %neg3A_44 = arith.subf %neg3A_43, %add3A_32 : vector<1024x32xf32>
    %exp3A = math.exp %neg3A_44 : vector<1024x32xf32>
    %add3A_45 = arith.constant 1.000000e+00 : f32
    %add3A_46 = vector.broadcast %add3A_45 : f32 to vector<1024x32xf32>
    %add3A_47 = arith.addf %add3A_46, %exp3A : vector<1024x32xf32>
    %div3A_48 = arith.constant 1.000000e+00 : f32
    %div3A_49 = vector.broadcast %div3A_48 : f32 to vector<1024x32xf32>
    %div3A_50 = arith.divf %div3A_49, %add3A_47 : vector<1024x32xf32>
    %reduce_max3A = arith.constant dense<0xFF800000> : vector<1024xf32>
    %reduce_max3A_51 = vector.multi_reduction <maximumf>, %add3A_42, %reduce_max3A [1] : vector<1024x16xf32> to vector<1024xf32>
    %broadcast_in_dim3A = vector.shape_cast %reduce_max3A_51 : vector<1024xf32> to vector<1024x1xf32>
    %sub3A = vector.broadcast %broadcast_in_dim3A : vector<1024x1xf32> to vector<1024x16xf32>
    %sub3A_52 = arith.subf %add3A_42, %sub3A : vector<1024x16xf32>
    %exp3A_53 = math.exp %sub3A_52 : vector<1024x16xf32>
    %reduce_sum3A = arith.constant dense<0.000000e+00> : vector<1024xf32>
    %reduce_sum3A_54 = vector.multi_reduction <add>, %exp3A_53, %reduce_sum3A [1] : vector<1024x16xf32> to vector<1024xf32>
    %broadcast_in_dim3A_55 = vector.shape_cast %reduce_sum3A_54 : vector<1024xf32> to vector<1024x1xf32>
    %div3A_56 = vector.broadcast %broadcast_in_dim3A_55 : vector<1024x1xf32> to vector<1024x16xf32>
    %div3A_57 = arith.divf %exp3A_53, %div3A_56 : vector<1024x16xf32>
    %get3A_58 = arith.constant 0 : index
    %get3A_59 = arith.constant 0 : index
    %get3A_60 = vector.load %arg10[%get3A_58, %get3A_59] : memref<128x8xf32, #tpu.memory_space<vmem>>, vector<128x8xf32>
    %dot_general3A_61 = arith.constant dense<0.000000e+00> : vector<1024x8xf32>
    %dot_general3A_62 = tpu.matmul %max3A_22, %get3A_60, %dot_general3A_61 {dimension_numbers = #tpu.dot_dimension_numbers<[1], [0], [0], [1], [0, 0, 1, 1], [], []>, transpose_lhs_hint = false} : vector<1024x128xf32>, vector<128x8xf32>, vector<1024x8xf32> -> vector<1024x8xf32>
    %get3A_63 = arith.constant 0 : index
    %get3A_64 = arith.constant 0 : index
    %get3A_65 = vector.load %arg11[%get3A_63, %get3A_64] : memref<32x8xf32, #tpu.memory_space<vmem>>, vector<32x8xf32>
    %dot_general3A_66 = arith.constant dense<0.000000e+00> : vector<1024x8xf32>
    %dot_general3A_67 = tpu.matmul %div3A_50, %get3A_65, %dot_general3A_66 {dimension_numbers = #tpu.dot_dimension_numbers<[1], [0], [0], [1], [0, 0, 1, 1], [], []>, transpose_lhs_hint = false} : vector<1024x32xf32>, vector<32x8xf32>, vector<1024x8xf32> -> vector<1024x8xf32>
    %add3A_68 = arith.addf %dot_general3A_62, %dot_general3A_67 : vector<1024x8xf32>
    %get3A_69 = arith.constant 0 : index
    %get3A_70 = arith.constant 0 : index
    %get3A_71 = vector.load %arg12[%get3A_69, %get3A_70] : memref<16x8xf32, #tpu.memory_space<vmem>>, vector<16x8xf32>
    %dot_general3A_72 = arith.constant dense<0.000000e+00> : vector<1024x8xf32>
    %dot_general3A_73 = tpu.matmul %div3A_57, %get3A_71, %dot_general3A_72 {dimension_numbers = #tpu.dot_dimension_numbers<[1], [0], [0], [1], [0, 0, 1, 1], [], []>, transpose_lhs_hint = false} : vector<1024x16xf32>, vector<16x8xf32>, vector<1024x8xf32> -> vector<1024x8xf32>
    %add3A_74 = arith.addf %add3A_68, %dot_general3A_73 : vector<1024x8xf32>
    %get3A_75 = arith.constant 0 : index
    %get3A_76 = arith.constant 0 : index
    %get3A_77 = vector.load %arg13[%get3A_75, %get3A_76] : memref<1x8xf32, #tpu.memory_space<vmem>>, vector<1x8xf32>
    %add3A_78 = vector.broadcast %get3A_77 : vector<1x8xf32> to vector<1024x8xf32>
    %add3A_79 = arith.addf %add3A_74, %add3A_78 : vector<1024x8xf32>
    %swap3A = arith.constant 0 : index
    %swap3A_80 = arith.constant 0 : index
    %swap3A_81 = vector.load %arg14[%swap3A, %swap3A_80] : memref<1024x32xf32, #tpu.memory_space<vmem>>, vector<1024x32xf32>
    tpu.vector_store %arg14[%swap3A, %swap3A_80], %add3A_32 {strides = array<i32>} : memref<1024x32xf32, #tpu.memory_space<vmem>>, vector<1024x32xf32>,
    %swap3A_82 = arith.constant 0 : index
    %swap3A_83 = arith.constant 0 : index
    %swap3A_84 = vector.load %arg15[%swap3A_82, %swap3A_83] : memref<1024x16xf32, #tpu.memory_space<vmem>>, vector<1024x16xf32>
    tpu.vector_store %arg15[%swap3A_82, %swap3A_83], %add3A_42 {strides = array<i32>} : memref<1024x16xf32, #tpu.memory_space<vmem>>, vector<1024x16xf32>,
    %swap3A_85 = arith.constant 0 : index
    %swap3A_86 = arith.constant 0 : index
    %swap3A_87 = vector.load %arg16[%swap3A_85, %swap3A_86] : memref<1024x8xf32, #tpu.memory_space<vmem>>, vector<1024x8xf32>
    tpu.vector_store %arg16[%swap3A_85, %swap3A_86], %add3A_79 {strides = array<i32>} : memref<1024x8xf32, #tpu.memory_space<vmem>>, vector<1024x8xf32>,
    return
  }
  func.func @transform_0(%arg0: i32) -> (i32, i32) {
    %c0_i32 = arith.constant 0 : i32
    %c0_i32_0 = arith.constant 0 : i32
    return %arg0, %c0_i32 : i32, i32
  }
  func.func @transform_1(%arg0: i32) -> (i32, i32) {
    %c0_i32 = arith.constant 0 : i32
    %c0_i32_0 = arith.constant 0 : i32
    return %arg0, %c0_i32 : i32, i32
  }
  func.func @transform_2(%arg0: i32) -> (i32, i32) {
    %c0_i32 = arith.constant 0 : i32
    %c0_i32_0 = arith.constant 0 : i32
    return %arg0, %c0_i32 : i32, i32
  }
  func.func @transform_3(%arg0: i32) -> (i32, i32) {
    %c0_i32 = arith.constant 0 : i32
    %c0_i32_0 = arith.constant 0 : i32
    return %arg0, %c0_i32 : i32, i32
  }
  func.func @transform_4(%arg0: i32) -> (i32, i32) {
    %c0_i32 = arith.constant 0 : i32
    %c0_i32_0 = arith.constant 0 : i32
    %c0_i32_1 = arith.constant 0 : i32
    return %c0_i32, %c0_i32_0 : i32, i32
  }
  func.func @transform_5(%arg0: i32) -> (i32, i32) {
    %c0_i32 = arith.constant 0 : i32
    %c0_i32_0 = arith.constant 0 : i32
    %c0_i32_1 = arith.constant 0 : i32
    return %c0_i32, %c0_i32_0 : i32, i32
  }
  func.func @transform_6(%arg0: i32) -> (i32, i32) {
    %c0_i32 = arith.constant 0 : i32
    %c0_i32_0 = arith.constant 0 : i32
    %c0_i32_1 = arith.constant 0 : i32
    return %c0_i32, %c0_i32_0 : i32, i32
  }
  func.func @transform_7(%arg0: i32) -> (i32, i32) {
    %c0_i32 = arith.constant 0 : i32
    %c0_i32_0 = arith.constant 0 : i32
    %c0_i32_1 = arith.constant 0 : i32
    return %c0_i32, %c0_i32_0 : i32, i32
  }
  func.func @transform_8(%arg0: i32) -> (i32, i32) {
    %c0_i32 = arith.constant 0 : i32
    %c0_i32_0 = arith.constant 0 : i32
    %c0_i32_1 = arith.constant 0 : i32
    return %c0_i32, %c0_i32_0 : i32, i32
  }
  func.func @transform_9(%arg0: i32) -> (i32, i32) {
    %c0_i32 = arith.constant 0 : i32
    %c0_i32_0 = arith.constant 0 : i32
    %c0_i32_1 = arith.constant 0 : i32
    return %c0_i32, %c0_i32_0 : i32, i32
  }
  func.func @transform_10(%arg0: i32) -> (i32, i32) {
    %c0_i32 = arith.constant 0 : i32
    %c0_i32_0 = arith.constant 0 : i32
    %c0_i32_1 = arith.constant 0 : i32
    return %c0_i32, %c0_i32_0 : i32, i32
  }
  func.func @transform_11(%arg0: i32) -> (i32, i32) {
    %c0_i32 = arith.constant 0 : i32
    %c0_i32_0 = arith.constant 0 : i32
    %c0_i32_1 = arith.constant 0 : i32
    return %c0_i32, %c0_i32_0 : i32, i32
  }
  func.func @transform_12(%arg0: i32) -> (i32, i32) {
    %c0_i32 = arith.constant 0 : i32
    %c0_i32_0 = arith.constant 0 : i32
    %c0_i32_1 = arith.constant 0 : i32
    return %c0_i32, %c0_i32_0 : i32, i32
  }
  func.func @transform_13(%arg0: i32) -> (i32, i32) {
    %c0_i32 = arith.constant 0 : i32
    %c0_i32_0 = arith.constant 0 : i32
    return %arg0, %c0_i32 : i32, i32
  }
  func.func @transform_14(%arg0: i32) -> (i32, i32) {
    %c0_i32 = arith.constant 0 : i32
    %c0_i32_0 = arith.constant 0 : i32
    return %arg0, %c0_i32 : i32, i32
  }
  func.func @transform_15(%arg0: i32) -> (i32, i32) {
    %c0_i32 = arith.constant 0 : i32
    %c0_i32_0 = arith.constant 0 : i32
    return %arg0, %c0_i32 : i32, i32
  }
}

</mosaic_0001>

<sc_bundles>
// kernel: kernel.11.cloned.1.call-start
scs
__scs_entry_jumppad:
0x0: {  	(pc) =	sbr.rel $0x88, $3  }
0x1: {  	(tag) =	ssettag $0x0;
	lr =	simm.s32 $0x1  }
0x2: {  	[smem:$0x3F93] =	sst lr;
	_ =	strace $0xD0000000  }
0x3: {  	_ = 	snop  }
0x4: {  	_ = 	snop  }
0x5: {  	_ = 	snop  }
0x6: {  	_ = 	snop  }
0x7: {  	_ = 	snop  }
__scs_overlays_trampoline_lowered:
0x8: {  	[smem:$0x3FA2] =	sst s0  }
0x9: {  	[smem:$0x3FA3] =	sst s1  }
0xa: {  	[smem:$0x3FA4] =	sst s2  }
0xb: {  	[smem:$0x3FA5] =	sst s3  }
0xc: {  	[smem:$0x3FA6] =	sst s4  }
0xd: {  	[smem:$0x3FA7] =	sst s5  }
0xe: {  	[smem:$0x3FA8] =	sst s6  }
0xf: {  	[smem:$0x3FA9] =	sst s7  }
0x10: {  	[smem:$0x3FAA] =	sst s8  }
0x11: {  	[smem:$0x3FAB] =	sst s9;
	s0 =	simm.s32 @!p0 $0x0  }
0x12: {  	s1 =	sld [smem:$0x3F91];
	s0 =	simm.s32 @p0 $0x1  }
0x13: {  	[smem:$0x3FAC] =	sst s0;
	s0 =	simm.s32 @!p1 $0x0  }
0x14: {  	s2 =	sld [smem:$0x3F90];
	s0 =	simm.s32 @p1 $0x1  }
0x15: {  	[smem:$0x3FAD] =	sst s0;
	s0 =	simm.s32 @!p2 $0x0  }
0x16: {  	s3 =	sld [smem:$0x3FDB];
	s0 =	simm.s32 @p2 $0x1  }
0x17: {  	s4 =	simm.s32 $0x1BF5;
	[smem:$0x3FAF] =	sst s0  }
0x18: {  	s0 =	sld [smem:$0x3F92];
	_ =	swait.ge [sflag:s4], $0x0  }
0x19: {  	s7 =	sld [smem:$0x3F93]  }
0x1a: {  	s8 =	sadd.s32 $0xFFFFE003, lr  }
0x1b: {  	s9 =	sadd.s32 $0xFFFFFEF7, lr;
	s5 =	simm.s32 $0xFFFFFFFF;
	p2 =	slt.u32 s8, $0xFFFFF086  }
0x1c: {  	p1 =	slt.u32 s9, $0xF7A;
	s5 =	simm.s32 @!p2 $0x0  }
0x1d: {  	s5 =	simm.s32 @p1 $0x1;
	p0 =	seq.s32 s7, s2  }
0x1e: {  	s7 =	smul.u32 @!p0 $0xF7A, s2;
	p2 =	seq.s32 @!p0 s5, $0x0  }
0x1f: {  	s9 =	smul.u32 $0xF7A, s1;
	s8 =	simm.s32 @!p0 $0x1BF5;
	p2 =	por !p2, p0  }
0x20: {  	[sflag:s8] =	ssyncset.s32 @!p0 $0xFFFFF086;
	s6 =	sadd.s32 @!p0 s3, s7;
	s7 =	simm.s32 @!p0 $0x108  }
0x21: {  	s3 =	sadd.s32 s3, s9;
	s6 =	sadd.s32 @!p0 $0x88, s6;
	s7 =	simm.s32 @p2 $0x1082  }
0x22: {  	[simem:s7], [sflag:s8] =	dma.local @!p0 [hbm:s6], $0xF7A  }
0x23: {  	s9 =	sor.u32 $0xD0000000, s2;
	s6 =	simm.s32 $0x108;
	_ =	swait.ge @!p0 [sflag:s8], $0x0  }
0x24: {  	s3 =	sadd.s32 $0x88, s3;
	s6 =	simm.s32 @!p1 $0x1082;
	[sflag:s4] =	ssyncset.s32 $0xFFFFF086  }
0x25: {  	[simem:s6], [sflag:s4] =	dma.local [hbm:s3], $0xF7A  }
0x26: {  	[smem:$0x3F93] =	sst s1;
	(tag) =	ssettag s2;
	_ =	strace s9  }
0x27: {  	s1 =	sld [smem:$0x3FA3]  }
0x28: {  	s2 =	sld [smem:$0x3FA4]  }
0x29: {  	s4 =	sld [smem:$0x3FA6]  }
0x2a: {  	p0 =	seq.s32 s5, $0x0;
	s5 =	sld [smem:$0x3FA7]  }
0x2b: {  	s6 =	sld [smem:$0x3FA8]  }
0x2c: {  	s7 =	sld [smem:$0x3FA9]  }
0x2d: {  	s3 =	simm.s32 $0x108;
	s8 =	sld [smem:$0x3FAA]  }
0x2e: {  	s3 =	simm.s32 @!p0 $0x1082;
	s9 =	sld [smem:$0x3FAB]  }
0x2f: {  	lr =	sadd.s32 s0, s3;
	s0 =	sld [smem:$0x3FA2]  }
0x30: {  	s3 =	sld [smem:$0x3FA5]  }
0x31: {  	[smem:$0x3FAE] =	sst s10  }
0x32: {  	s10 =	sld [smem:$0x3FAC];
	_ =	sdelay $0x3  }
0x33: {  	p0 =	seq.s32 s10, $0x1;
	s10 =	sld [smem:$0x3FAE];
	_ =	sdelay $0x3  }
0x34: {  	[smem:$0x3FAE] =	sst s10  }
0x35: {  	s10 =	sld [smem:$0x3FAD];
	_ =	sdelay $0x3  }
0x36: {  	p1 =	seq.s32 s10, $0x1;
	s10 =	sld [smem:$0x3FAE];
	_ =	sdelay $0x3  }
0x37: {  	[smem:$0x3FAE] =	sst s10  }
0x38: {  	s10 =	sld [smem:$0x3FAF]  }
0x39: {  	_ = 	snop;
	(pc) =	sbr.ind lr, $3  }
0x3a: {  	_ = 	snop  }
0x3b: {  	_ = 	snop  }
0x3c: {  	p2 =	seq.s32 s10, $0x1;
	s10 =	sld [smem:$0x3FAE]  }
0x3d: {  	_ =	shalt  }
0x3e: {  	_ =	shalt  }
0x3f: {  	_ =	shalt  }
0x40: {  	_ =	shalt  }
0x41: {  	_ =	shalt  }
0x42: {  	_ =	shalt  }
0x43: {  	_ =	shalt  }
0x44: {  	_ =	shalt  }
0x45: {  	_ =	shalt  }
0x46: {  	_ =	shalt  }
0x47: {  	_ =	shalt  }
0x48: {  	_ =	shalt  }
0x49: {  	_ =	shalt  }
0x4a: {  	_ =	shalt  }
0x4b: {  	_ =	shalt  }
0x4c: {  	_ =	shalt  }
0x4d: {  	_ =	shalt  }
0x4e: {  	_ =	shalt  }
0x4f: {  	_ =	shalt  }
0x50: {  	_ =	shalt  }
0x51: {  	_ =	shalt  }
0x52: {  	_ =	shalt  }
0x53: {  	_ =	shalt  }
0x54: {  	_ =	shalt  }
0x55: {  	_ =	shalt  }
0x56: {  	_ =	shalt  }
0x57: {  	_ =	shalt  }
0x58: {  	_ =	shalt  }
0x59: {  	_ =	shalt  }
0x5a: {  	_ =	shalt  }
0x5b: {  	_ =	shalt  }
0x5c: {  	_ =	shalt  }
0x5d: {  	_ =	shalt  }
0x5e: {  	_ =	shalt  }
0x5f: {  	_ =	shalt  }
0x60: {  	_ =	shalt  }
0x61: {  	_ =	shalt  }
0x62: {  	_ =	shalt  }
0x63: {  	_ =	shalt  }
0x64: {  	_ =	shalt  }
0x65: {  	_ =	shalt  }
0x66: {  	_ =	shalt  }
0x67: {  	_ =	shalt  }
0x68: {  	_ =	shalt  }
0x69: {  	_ =	shalt  }
0x6a: {  	_ =	shalt  }
0x6b: {  	_ =	shalt  }
0x6c: {  	_ =	shalt  }
0x6d: {  	_ =	shalt  }
0x6e: {  	_ =	shalt  }
0x6f: {  	_ =	shalt  }
0x70: {  	_ =	shalt  }
0x71: {  	_ =	shalt  }
0x72: {  	_ =	shalt  }
0x73: {  	_ =	shalt  }
0x74: {  	_ =	shalt  }
0x75: {  	_ =	shalt  }
0x76: {  	_ =	shalt  }
0x77: {  	_ =	shalt  }
0x78: {  	_ =	shalt  }
0x79: {  	_ =	shalt  }
0x7a: {  	_ =	shalt  }
0x7b: {  	_ =	shalt  }
0x7c: {  	_ =	shalt  }
0x7d: {  	_ =	shalt  }
0x7e: {  	_ =	shalt  }
0x7f: {  	_ =	shalt  }
0x80: {  	_ =	shalt  }
0x81: {  	_ =	shalt  }
0x82: {  	_ =	shalt  }
0x83: {  	_ =	shalt  }
0x84: {  	_ =	shalt  }
0x85: {  	_ =	shalt  }
0x86: {  	_ =	shalt  }
0x87: {  	_ =	shalt  }
.Lfunc_end0:
.L_simem_size_0:
called_computation.1_lowered:
.L_overlay_start_0:
0x88: {  	s2 =	sld [smem:$0x3FD9]  }
0x89: {  	s3 =	sld [smem:$0x3FFE];
	_ =	sdelay $0x1  }
0x8a: {  	s1 =	srdreg.scid  }
0x8b: {  	s0 =	sand.u32 $0x1, s1  }
0x8c: {  	s14 =	sshll.u32 s0, $0xA;
	s2 =	sadd.s32 s3, s2  }
0x8d: {  	s2 =	sadd.s32 s2, s14  }
0x8e: {  	[smem:$0x3FBA] =	sst s2  }
0x8f: {  	_ = 	snop  }
0x90: {  	s2 =	sld [smem:$0x3FD0];
	_ =	sdelay $0x2  }
0x91: {  	s15 =	simm.s32 $0xA;
	s4 =	simm.s32 $0x10  }
0x92: {  	[smem:s4], [sflag:s15] =	dma.local [hbm:s2], $0x1  }
0x93: {  	_ =	swait.eq [sflag:s15], $0x1  }
0x94: {  	[sflag:s15] =	ssyncset.done $0x0  }
0x95: {  	s16 =	sld [smem:$0x10];
	[sflag:s15] =	ssyncadd.s32 $0xFFFFFFFF  }
0x96: {  	s17 =	sld [smem:$0x12];
	(tm) =	ssettm $0x1  }
0x97: {  	s18 =	sld [smem:$0x3FFB];
	_ =	sdelay $0x3  }
0x98: {  	_ =	strace s18  }
0x99: {  	s4 =	sld [smem:$0x3FFC];
	_ =	sdelay $0x3  }
0x9a: {  	_ =	strace s4  }
0x9b: {  	s4 =	sld [smem:$0x3FFD];
	_ =	sdelay $0x3  }
0x9c: {  	_ =	strace s4  }
0x9d: {  	_ =	strace $0x8FFFFFFF  }
0x9e: {  	s19 =	sld [smem:$0x3FDB];
	_ =	sdelay $0x1  }
0x9f: {  	s5 =	simm.s32 $_scs_section_size  }
0xa0: {  	s6 =	simm.s32 $_size__tile_overlayer_lowered;
	s7 =	simm.s32 $_tile_overlayer_lowered  }
0xa1: {  	s22 =	simm.s32 $0x1BFF;
	s21 =	sshll.u32 s7, $0x1;
	s4 =	sadd.s32 s5, s19  }
0xa2: {  	s8 =	simm.s32 $0x0;
	s20 =	sshll.u32 s6, $0x1;
	s6 =	sadd.s32 s21, s4  }
0xa3: {  	[timem:s8], [sflag:s22] =	dma.local [hbm:s6], s20  }
0xa4: {  	_ =	swait.ge [sflag:s22], s20  }
0xa5: {  	s5 =	ssub.s32 $0x0, s20;
	[sflag:s22] =	ssyncset.done $0x0  }
0xa6: {  	[sflag:s22] =	ssyncadd.s32 s5;
	_ =	sdelay $0x1  }
0xa7: {  	s23 =	simm.s32 $0x1B8B  }
0xa8: {  	_ =	swait.ge [sflag:s23], $0x1  }
0xa9: {  	[sflag:s23] =	ssyncset.done $0x0  }
0xaa: {  	s25 =	simm.s32 $0x1B8E;
	s24 =	sld [smem:$0x3FFE];
	[sflag:s23] =	ssyncadd.s32 $0xFFFFFFFF  }
0xab: {  	s26 =	simm.s32 $execute0_lowered;
	[smem:$0x3FD2] =	sst s25  }
0xac: {  	s6 =	sshll.u32 s26, $0x1;
	_ =	strace $0x80000049;
	[dreg:$0x1] =	wrdreg $0xFFFFFFFF  }
0xad: {  	s28 =	simm.s32 $_size_execute0_lowered;
	s4 =	sadd.s32 s4, s6;
	[dreg:$0x0] =	wrdreg $0x0  }
0xae: {  	s6 =	sshll.u32 s28, $0x1;
	[dreg:$0x2] =	wrdreg s4  }
0xaf: {  	[dreg:$0x3] =	wrdreg s6  }
0xb0: {  	[dreg:$0x4] =	wrdreg $0xC0  }
0xb1: {  	_ =	task [dreg:s8], $0x5FFFF  }
0xb2: {  	[dreg:$0x1] =	wrdreg $0xFFFFFFFF  }
0xb3: {  	[dreg:$0x0] =	wrdreg $0x60  }
0xb4: {  	[dreg:$0x2] =	wrdreg s24  }
0xb5: {  	[dreg:$0x3] =	wrdreg s16  }
0xb6: {  	[dreg:$0x4] =	wrdreg s17  }
0xb7: {  	[dreg:$0x5] =	wrdreg $0x41000  }
0xb8: {  	[dreg:$0x6] =	wrdreg $0x9  }
0xb9: {  	_ =	task.clear_ibuf [dreg:s8], $0x7FFFF;
	_ =	strace $0x90000049  }
0xba: {  	s29 =	simm.s32 $0x9;
	_ =	strace $0x8000004B  }
0xbb: {  	_ =	swait.ge [sflag:s29], $0x1  }
0xbc: {  	[sflag:s29] =	ssyncadd.s32 $0xFFFFFFFF  }
0xbd: {  	_ =	strace $0x9000004B  }
0xbe: {  	_ =	sfence  }
0xbf: {  	s30 =	sld [smem:$0x0];
	_ =	sdelay $0x2  }
0xc0: {  	s31 =	sshll.u32 s1, $0xD;
	s1 =	sshrl.u32 s1, $0x2  }
0xc1: {  	s3 =	sand.u32 $0x4000, s31;
	s1 =	sadd.s32 s1, s30  }
0xc2: {  	s0 =	sor.u32 s3, s0;
	s1 =	sshll.u32 s1, $0x11  }
0xc3: {  	s0 =	sor.u32 s1, s0  }
0xc4: {  	s0 =	sadd.s32 $0x8F2B, s0  }
0xc5: {  	[sflag:s0] =	ssyncadd.remote.s32 $0x1  }
0xc6: {  	_ =	sfence.sel $0xFFFF  }
0xc7: {  	[dreg:$0x0] =	wrdreg $0xFFFFFFFF;
	(pc) =	sbr.abs _section_cstart, $3  }
0xc8: {  	[dreg:$0x1] =	wrdreg $0xFFFFFFFF  }
0xc9: {  	_ =	task.clear_ibuf [dreg:s8], $0x2FFFF;
	_ =	strace $0x9FFFFFFF  }
0xca: {  	(tm) =	ssettm $0x7FFFFFFF  }
0xcb: {  	_ =	shalt  }
tec
execute0_lowered:
.L_overlay_start_1:
0x0: {  	(tag) =	ssettag $0x1  }
0x1: {  	s6 =	rddreg [dreg:$0x0]  }
0x2: {  	s17 =	rddreg [dreg:$0x1]  }
0x3: {  	s2 =	rddreg [dreg:$0x2];
	s1 =	srdreg.scid  }
0x4: {  	s0 =	stileid.u32;
	s3 =	rddreg [dreg:$0x3]  }
0x5: {  	s4 =	simm.s32 $0x0;
	s22 =	simm.s32 $0x100;
	s23 =	simm.s32 $0x1  }
0x6: {  	s7 =	sand.u32 $0x1, s1;
	s8 =	smul.u32 $0x4E80, s0;
	s1 =	rddreg [dreg:$0x4]  }
0x7: {  	s24 =	simm.s32 $0x0;
	[smem:$0x7FF] =	sst s4;
	s10 =	smul.u32 $0xA000, s0  }
0x8: {  	s5 =	sadd.s32 $0x40800, s6;
	s15 =	sadd.s32 $0x68800, s6;
	s31 =	smul.u32 $0x9D0, s0  }
0x9: {  	s9 =	smul.u32 $0x4E800, s7;
	_ =	strace $0x8000004A;
	s29 =	ssub.s32 $0x2, s7  }
0xa: {  	s19 =	smul.u32 $0xA0000, s7;
	s30 =	sshrl.u32 s29, $0x1;
	s11 =	sadd.s32 $0x2000, s10  }
0xb: {  	s13 =	sadd.s32 $0x4000, s10;
	s14 =	sadd.s32 $0x6000, s10;
	s20 =	sadd.s32 $0x8000, s10  }
0xc: {  	s17 =	sadd.s32 s31, s17;
	s8 =	sadd.s32 s8, s9;
	s16 =	ssub.s32 s29, s30  }
0xd: {  	s7 =	sadd.s32 s11, s3;
	s9 =	sadd.s32 s14, s3;
	s12 =	sadd.s32 s10, s19  }
0xe: {  	s11 =	sadd.s32 s19, s11;
	s14 =	sadd.s32 s19, s14;
	s8 =	sshrl.u32 s8, $0x3  }
0xf: {  	s12 =	sshrl.u32 s12, $0x3;
	s21 =	sshrl.u32 s11, $0x3;
	s14 =	sshrl.u32 s14, $0x3  }
0x10: {  	s16 =	smax.u32 s16, $0x1;
	s18 =	sadd.s32 s8, s6;
	s6 =	sadd.s32 s10, s3  }
0x11: {  	s8 =	sadd.s32 s13, s3;
	s10 =	sadd.s32 s20, s3;
	s11 =	sadd.s32 s15, s12  }
0x12: {  	s12 =	sadd.s32 s15, s21;
	s13 =	sadd.s32 s19, s13;
	s19 =	sadd.s32 s19, s20  }
0x13: {  	s14 =	sadd.s32 s15, s14;
	s20 =	simm.s32 $0x2;
	s21 =	simm.s32 $0x80  }
0x14: {  	s13 =	sshrl.u32 s13, $0x3;
	s19 =	sshrl.u32 s19, $0x3;
	s18 =	sadd.s32 $0x4E00, s18  }
0x15: {  	s13 =	sadd.s32 s15, s13;
	s15 =	sadd.s32 s15, s19;
	s19 =	simm.s32 $0x2100  }
.LBB2_1:
0x16: {  	[tilespmem:s19], [sflag:$0x2] =	stream.linear.gather [hbm4b:s2+s4], $0x2000, $0x38;
	[tilespmem:$0xE100] =	vst v63  }
0x17: {  	_ =	swait.ge [sflag:s20], $0x2000  }
0x18: {  	[sflag:s20] =	ssyncset.done $0x0  }
0x19: {  	[sflag:s20] =	ssyncadd.s32 $0xFFFFE000  }
0x1a: {  	[spmem:s6] =	stream.linear.scatter [tilespmem:s19], [sflag:$0x2], $0x2000, $0x38;
	[tilespmem:$0xE100] =	vst v63  }
0x1b: {  	_ =	swait.ge [sflag:s20], $0x2000  }
0x1c: {  	[sflag:s20] =	ssyncset.done $0x0  }
0x1d: {  	[sflag:s20] =	ssyncadd.s32 $0xFFFFE000  }
0x1e: {  	[spmem:s7] =	stream.linear.scatter [tilespmem:s19], [sflag:$0x2], $0x2000, $0x38;
	[tilespmem:$0xE100] =	vst v63  }
0x1f: {  	_ =	swait.ge [sflag:s20], $0x2000  }
0x20: {  	[sflag:s20] =	ssyncset.done $0x0  }
0x21: {  	[sflag:s20] =	ssyncadd.s32 $0xFFFFE000  }
0x22: {  	[spmem:s8] =	stream.linear.scatter [tilespmem:s19], [sflag:$0x2], $0x2000, $0x38;
	[tilespmem:$0xE100] =	vst v63  }
0x23: {  	_ =	swait.ge [sflag:s20], $0x2000  }
0x24: {  	[sflag:s20] =	ssyncset.done $0x0  }
0x25: {  	[sflag:s20] =	ssyncadd.s32 $0xFFFFE000  }
0x26: {  	[spmem:s9] =	stream.linear.scatter [tilespmem:s19], [sflag:$0x2], $0x2000, $0x38;
	[tilespmem:$0xE100] =	vst v63  }
0x27: {  	_ =	swait.ge [sflag:s20], $0x2000  }
0x28: {  	[sflag:s20] =	ssyncset.done $0x0  }
0x29: {  	[sflag:s20] =	ssyncadd.s32 $0xFFFFE000  }
0x2a: {  	[spmem:s10] =	stream.linear.scatter [tilespmem:s19], [sflag:$0x2], $0x2000, $0x38;
	[tilespmem:$0xE100] =	vst v63  }
0x2b: {  	_ =	swait.ge [sflag:s20], $0x2000  }
0x2c: {  	[sflag:s20] =	ssyncset.done $0x0  }
0x2d: {  	[sflag:s20] =	ssyncadd.s32 $0xFFFFE000  }
0x2e: {  	s25 =	sadd.s32 $0x0, s18;
	[bflag:$0x0] =	sbarrier.arrive $0xFFFF  }
0x2f: {  	[tilespmem:s4], [sflag:$0x2] =	stream.linear.gather [hbm4b:s25+s4], $0x80, $0x38;
	[tilespmem:$0xE100] =	vst v63  }
0x30: {  	_ =	swait.ge [sflag:s20], $0x80  }
0x31: {  	[sflag:s20] =	ssyncset.done $0x0  }
0x32: {  	s31 =	sadd.s32 $0x0, s17;
	[sflag:s20] =	ssyncadd.s32 $0xFFFFFF80  }
0x33: {  	[tilespmem:s21], [sflag:$0x2] =	stream.linear.gather [hbm4b:s31+s4], $0x80, $0x38;
	[tilespmem:$0xE100] =	vst v63  }
0x34: {  	_ =	swait.ge [sflag:s20], $0x80  }
0x35: {  	[sflag:s20] =	ssyncset.done $0x0  }
0x36: {  	[sflag:s20] =	ssyncadd.s32 $0xFFFFFF80  }
0x37: {  	[tilespmem:s22], [sflag:$0x1] =	stream.indirect.gather [hbm4b:s5+s21], $0x40, s4, s21, $0xb8;
	[tilespmem:$0xE100] =	vst v63  }
0x38: {  	_ =	swait.ge [sflag:s23], $0x2000  }
0x39: {  	[sflag:s23] =	ssyncset.done $0x0  }
0x3a: {  	[sflag:s23] =	ssyncadd.s32 $0xFFFFE000  }
0x3b: {  	[spmem:s3] =	stream.indirect.scatter.add.f32 [tilespmem:s22], [sflag:$0x2], $0x40, s21, s21, $0xb8;
	[tilespmem:$0xE100] =	vst v63  }
0x3c: {  	_ =	swait.ge [sflag:s20], $0x2000  }
0x3d: {  	s26 =	simm.s32 $0x20;
	s25 =	simm.s32 $0x10;
	[sflag:s20] =	ssyncset.done $0x0  }
.LBB2_2:
0x3e: {  	s28 =	sadd.s32 s25, s18  }
0x3f: {  	[sflag:s20] =	ssyncadd.s32 $0xFFFFE000;
	s29 =	smov.u32 s26;
	s30 =	sadd.s32 $0x10, s26  }
0x40: {  	[tilespmem:s4], [sflag:$0x2] =	stream.linear.gather [hbm4b:s28+s4], $0x80, $0x38;
	[tilespmem:$0xE100] =	vst v63  }
0x41: {  	p0 =	sne.s32 s26, $0x9C0;
	_ =	swait.ge [sflag:s20], $0x80  }
0x42: {  	[sflag:s20] =	ssyncset.done $0x0  }
0x43: {  	s26 =	sadd.s32 s25, s17;
	s25 =	smov.u32 s29;
	[sflag:s20] =	ssyncadd.s32 $0xFFFFFF80  }
0x44: {  	[tilespmem:s21], [sflag:$0x2] =	stream.linear.gather [hbm4b:s26+s4], $0x80, $0x38;
	[tilespmem:$0xE100] =	vst v63  }
0x45: {  	_ =	swait.ge [sflag:s20], $0x80  }
0x46: {  	[sflag:s20] =	ssyncset.done $0x0  }
0x47: {  	[sflag:s20] =	ssyncadd.s32 $0xFFFFFF80  }
0x48: {  	[tilespmem:s22], [sflag:$0x1] =	stream.indirect.gather [hbm4b:s5+s21], $0x40, s4, s21, $0xb8;
	[tilespmem:$0xE100] =	vst v63  }
0x49: {  	_ =	swait.ge [sflag:s23], $0x2000  }
.Ltmp0:
0x4a: {  	[sflag:s23] =	ssyncset.done $0x0;
	(pc) =	sbr.rel @p0 .LBB2_2-.Ltmp0, $4  }
0x4b: {  	[sflag:s23] =	ssyncadd.s32 $0xFFFFE000  }
0x4c: {  	[spmem:s3] =	stream.indirect.scatter.add.f32 [tilespmem:s22], [sflag:$0x2], $0x40, s21, s21, $0xb8;
	[tilespmem:$0xE100] =	vst v63  }
0x4d: {  	_ =	swait.ge [sflag:s20], $0x2000  }
0x4e: {  	s26 =	smov.u32 s30;
	[sflag:s20] =	ssyncset.done $0x0  }
0x4f: {  	s26 =	sadd.s32 s25, s18;
	[sflag:s20] =	ssyncadd.s32 $0xFFFFE000  }
0x50: {  	[tilespmem:s4], [sflag:$0x2] =	stream.linear.gather [hbm4b:s26+s4], $0x80, $0x38;
	[tilespmem:$0xE100] =	vst v63  }
0x51: {  	_ =	swait.ge [sflag:s20], $0x80  }
0x52: {  	[sflag:s20] =	ssyncset.done $0x0  }
0x53: {  	s31 =	sadd.s32 s25, s17;
	[sflag:s20] =	ssyncadd.s32 $0xFFFFFF80  }
0x54: {  	[tilespmem:s21], [sflag:$0x2] =	stream.linear.gather [hbm4b:s31+s4], $0x80, $0x38;
	[tilespmem:$0xE100] =	vst v63  }
0x55: {  	_ =	swait.ge [sflag:s20], $0x80  }
0x56: {  	[sflag:s20] =	ssyncset.done $0x0  }
0x57: {  	[sflag:s20] =	ssyncadd.s32 $0xFFFFFF80  }
0x58: {  	[tilespmem:s22], [sflag:$0x1] =	stream.indirect.gather [hbm4b:s5+s21], $0x40, s4, s21, $0xb8;
	[tilespmem:$0xE100] =	vst v63  }
0x59: {  	_ =	swait.ge [sflag:s23], $0x2000  }
0x5a: {  	[sflag:s23] =	ssyncset.done $0x0  }
0x5b: {  	[sflag:s23] =	ssyncadd.s32 $0xFFFFE000  }
0x5c: {  	[spmem:s3] =	stream.indirect.scatter.add.f32 [tilespmem:s22], [sflag:$0x2], $0x40, s21, s21, $0xb8;
	[tilespmem:$0xE100] =	vst v63  }
0x5d: {  	_ =	swait.ge [sflag:s20], $0x2000  }
0x5e: {  	[sflag:s20] =	ssyncset.done $0x0  }
0x5f: {  	[sflag:s20] =	ssyncadd.s32 $0xFFFFE000  }
0x60: {  	[bflag:$0x0] =	sbarrier.arrive $0xFFFF  }
0x61: {  	[tilespmem:s22], [sflag:$0x2] =	stream.linear.gather [spmem:s6], $0x2000, $0x38;
	[tilespmem:$0xE100] =	vst v63  }
0x62: {  	_ =	swait.ge [sflag:s20], $0x2000  }
0x63: {  	[sflag:s20] =	ssyncset.done $0x0  }
0x64: {  	[sflag:s20] =	ssyncadd.s32 $0xFFFFE000  }
0x65: {  	[hbm4b:s11+s4] =	stream.linear.scatter [tilespmem:s22], [sflag:$0x2], $0x2000, $0x38;
	[tilespmem:$0xE100] =	vst v63  }
0x66: {  	_ =	swait.ge [sflag:s20], $0x2000  }
0x67: {  	[sflag:s20] =	ssyncset.done $0x0  }
0x68: {  	[sflag:s20] =	ssyncadd.s32 $0xFFFFE000  }
0x69: {  	[tilespmem:s22], [sflag:$0x2] =	stream.linear.gather [spmem:s7], $0x2000, $0x38;
	[tilespmem:$0xE100] =	vst v63  }
0x6a: {  	_ =	swait.ge [sflag:s20], $0x2000  }
0x6b: {  	[sflag:s20] =	ssyncset.done $0x0  }
0x6c: {  	[sflag:s20] =	ssyncadd.s32 $0xFFFFE000  }
0x6d: {  	[hbm4b:s12+s4] =	stream.linear.scatter [tilespmem:s22], [sflag:$0x2], $0x2000, $0x38;
	[tilespmem:$0xE100] =	vst v63  }
0x6e: {  	_ =	swait.ge [sflag:s20], $0x2000  }
0x6f: {  	[sflag:s20] =	ssyncset.done $0x0  }
0x70: {  	[sflag:s20] =	ssyncadd.s32 $0xFFFFE000  }
0x71: {  	[tilespmem:s22], [sflag:$0x2] =	stream.linear.gather [spmem:s8], $0x2000, $0x38;
	[tilespmem:$0xE100] =	vst v63  }
0x72: {  	_ =	swait.ge [sflag:s20], $0x2000  }
0x73: {  	[sflag:s20] =	ssyncset.done $0x0  }
0x74: {  	[sflag:s20] =	ssyncadd.s32 $0xFFFFE000  }
0x75: {  	[hbm4b:s13+s4] =	stream.linear.scatter [tilespmem:s22], [sflag:$0x2], $0x2000, $0x38;
	[tilespmem:$0xE100] =	vst v63  }
0x76: {  	_ =	swait.ge [sflag:s20], $0x2000  }
0x77: {  	[sflag:s20] =	ssyncset.done $0x0  }
0x78: {  	[sflag:s20] =	ssyncadd.s32 $0xFFFFE000  }
0x79: {  	[tilespmem:s22], [sflag:$0x2] =	stream.linear.gather [spmem:s9], $0x2000, $0x38;
	[tilespmem:$0xE100] =	vst v63  }
0x7a: {  	_ =	swait.ge [sflag:s20], $0x2000  }
0x7b: {  	[sflag:s20] =	ssyncset.done $0x0  }
0x7c: {  	[sflag:s20] =	ssyncadd.s32 $0xFFFFE000  }
0x7d: {  	[hbm4b:s14+s4] =	stream.linear.scatter [tilespmem:s22], [sflag:$0x2], $0x2000, $0x38;
	[tilespmem:$0xE100] =	vst v63  }
0x7e: {  	_ =	swait.ge [sflag:s20], $0x2000  }
0x7f: {  	[sflag:s20] =	ssyncset.done $0x0  }
0x80: {  	[sflag:s20] =	ssyncadd.s32 $0xFFFFE000  }
0x81: {  	[tilespmem:s22], [sflag:$0x2] =	stream.linear.gather [spmem:s10], $0x2000, $0x38;
	[tilespmem:$0xE100] =	vst v63  }
0x82: {  	s24 =	sadd.s32 $0x1, s24;
	_ =	swait.ge [sflag:s20], $0x2000  }
0x83: {  	p0 =	sne.s32 s24, s16;
	[sflag:s20] =	ssyncset.done $0x0  }
.Ltmp1:
0x84: {  	[sflag:s20] =	ssyncadd.s32 $0xFFFFE000;
	(pc) =	sbr.rel @p0 .LBB2_1-.Ltmp1, $4  }
0x85: {  	[hbm4b:s15+s4] =	stream.linear.scatter [tilespmem:s22], [sflag:$0x2], $0x2000, $0x38;
	[tilespmem:$0xE100] =	vst v63  }
0x86: {  	_ =	swait.ge [sflag:s20], $0x2000  }
0x87: {  	[sflag:s20] =	ssyncset.done $0x0  }
0x88: {  	[sflag:s20] =	ssyncadd.s32 $0xFFFFE000  }
0x89: {  	_ =	sfence.sel $0x180000  }
0x8a: {  	[bflag:$0x0] =	sbarrier.arrive $0xFFFF  }
0x8b: {  	p0 =	sne.s32 s0, $0x0;
	_ =	strace $0x9000004A  }
0x8c: {  	s0 =	sadd.s32 @!p0 $0x100000, s1;
	[bflag:$0x2] =	sbarrier.arrive $0xFFFF  }
0x8d: {  	[sflag:s0] =	ssyncadd.tile.s32 @!p0 $0x1;
	_ =	shalt  }
.Lfunc_end2:
_tile_overlayer_lowered:
.L_overlay_start_2:
0x8e: {  	(tag) =	ssettag $0x2  }
0x8f: {  	s0 =	rddreg [dreg:$0x0];
	s2 =	stileid.u32  }
0x90: {  	s1 =	rddreg [dreg:$0x1];
	p0 =	sne.s32 s2, $0x0  }
0x91: {  	s3 =	rddreg [dreg:$0x2];
	[bflag:$0x3] =	sbarrier.arrive $0xFFFF;
	s2 =	simm.s32 @!p0 $0x1C02  }
0x92: {  	[timem:s3], [sflag:s2] =	dma.local @!p0 [hbm:s0], s1  }
0x93: {  	s0 =	simm.s32 @!p0 $0x2  }
0x94: {  	_ =	swait.ge @!p0 [sflag:s0], s1  }
0x95: {  	s1 =	ssub.s32 @!p0 $0x0, s1;
	[sflag:s0] =	ssyncset.done @!p0 $0x0  }
0x96: {  	[sflag:s0] =	ssyncadd.s32 @!p0 s1  }
0x97: {  	[bflag:$0x3] =	sbarrier.arrive $0xFFFF  }
0x98: {  	_ =	shalt  }

// kernel: kernel.8.cloned.1.call-start
scs
__scs_entry_jumppad:
0x0: {  	(pc) =	sbr.rel $0x88, $3  }
0x1: {  	(tag) =	ssettag $0x0;
	lr =	simm.s32 $0x1  }
0x2: {  	[smem:$0x3F93] =	sst lr;
	_ =	strace $0xD0000000  }
0x3: {  	_ = 	snop  }
0x4: {  	_ = 	snop  }
0x5: {  	_ = 	snop  }
0x6: {  	_ = 	snop  }
0x7: {  	_ = 	snop  }
__scs_overlays_trampoline_lowered:
0x8: {  	[smem:$0x3FA2] =	sst s0  }
0x9: {  	[smem:$0x3FA3] =	sst s1  }
0xa: {  	[smem:$0x3FA4] =	sst s2  }
0xb: {  	[smem:$0x3FA5] =	sst s3  }
0xc: {  	[smem:$0x3FA6] =	sst s4  }
0xd: {  	[smem:$0x3FA7] =	sst s5  }
0xe: {  	[smem:$0x3FA8] =	sst s6  }
0xf: {  	[smem:$0x3FA9] =	sst s7  }
0x10: {  	[smem:$0x3FAA] =	sst s8  }
0x11: {  	[smem:$0x3FAB] =	sst s9;
	s0 =	simm.s32 @!p0 $0x0  }
0x12: {  	s1 =	sld [smem:$0x3F91];
	s0 =	simm.s32 @p0 $0x1  }
0x13: {  	[smem:$0x3FAC] =	sst s0;
	s0 =	simm.s32 @!p1 $0x0  }
0x14: {  	s2 =	sld [smem:$0x3F90];
	s0 =	simm.s32 @p1 $0x1  }
0x15: {  	[smem:$0x3FAD] =	sst s0;
	s0 =	simm.s32 @!p2 $0x0  }
0x16: {  	s3 =	sld [smem:$0x3FDB];
	s0 =	simm.s32 @p2 $0x1  }
0x17: {  	s4 =	simm.s32 $0x1BF5;
	[smem:$0x3FAF] =	sst s0  }
0x18: {  	s0 =	sld [smem:$0x3F92];
	_ =	swait.ge [sflag:s4], $0x0  }
0x19: {  	s7 =	sld [smem:$0x3F93]  }
0x1a: {  	s8 =	sadd.s32 $0xFFFFE003, lr  }
0x1b: {  	s9 =	sadd.s32 $0xFFFFFEF7, lr;
	s5 =	simm.s32 $0xFFFFFFFF;
	p2 =	slt.u32 s8, $0xFFFFF086  }
0x1c: {  	p1 =	slt.u32 s9, $0xF7A;
	s5 =	simm.s32 @!p2 $0x0  }
0x1d: {  	s5 =	simm.s32 @p1 $0x1;
	p0 =	seq.s32 s7, s2  }
0x1e: {  	s7 =	smul.u32 @!p0 $0xF7A, s2;
	p2 =	seq.s32 @!p0 s5, $0x0  }
0x1f: {  	s9 =	smul.u32 $0xF7A, s1;
	s8 =	simm.s32 @!p0 $0x1BF5;
	p2 =	por !p2, p0  }
0x20: {  	[sflag:s8] =	ssyncset.s32 @!p0 $0xFFFFF086;
	s6 =	sadd.s32 @!p0 s3, s7;
	s7 =	simm.s32 @!p0 $0x108  }
0x21: {  	s3 =	sadd.s32 s3, s9;
	s6 =	sadd.s32 @!p0 $0x88, s6;
	s7 =	simm.s32 @p2 $0x1082  }
0x22: {  	[simem:s7], [sflag:s8] =	dma.local @!p0 [hbm:s6], $0xF7A  }
0x23: {  	s9 =	sor.u32 $0xD0000000, s2;
	s6 =	simm.s32 $0x108;
	_ =	swait.ge @!p0 [sflag:s8], $0x0  }
0x24: {  	s3 =	sadd.s32 $0x88, s3;
	s6 =	simm.s32 @!p1 $0x1082;
	[sflag:s4] =	ssyncset.s32 $0xFFFFF086  }
0x25: {  	[simem:s6], [sflag:s4] =	dma.local [hbm:s3], $0xF7A  }
0x26: {  	[smem:$0x3F93] =	sst s1;
	(tag) =	ssettag s2;
	_ =	strace s9  }
0x27: {  	s1 =	sld [smem:$0x3FA3]  }
0x28: {  	s2 =	sld [smem:$0x3FA4]  }
0x29: {  	s4 =	sld [smem:$0x3FA6]  }
0x2a: {  	p0 =	seq.s32 s5, $0x0;
	s5 =	sld [smem:$0x3FA7]  }
0x2b: {  	s6 =	sld [smem:$0x3FA8]  }
0x2c: {  	s7 =	sld [smem:$0x3FA9]  }
0x2d: {  	s3 =	simm.s32 $0x108;
	s8 =	sld [smem:$0x3FAA]  }
0x2e: {  	s3 =	simm.s32 @!p0 $0x1082;
	s9 =	sld [smem:$0x3FAB]  }
0x2f: {  	lr =	sadd.s32 s0, s3;
	s0 =	sld [smem:$0x3FA2]  }
0x30: {  	s3 =	sld [smem:$0x3FA5]  }
0x31: {  	[smem:$0x3FAE] =	sst s10  }
0x32: {  	s10 =	sld [smem:$0x3FAC];
	_ =	sdelay $0x3  }
0x33: {  	p0 =	seq.s32 s10, $0x1;
	s10 =	sld [smem:$0x3FAE];
	_ =	sdelay $0x3  }
0x34: {  	[smem:$0x3FAE] =	sst s10  }
0x35: {  	s10 =	sld [smem:$0x3FAD];
	_ =	sdelay $0x3  }
0x36: {  	p1 =	seq.s32 s10, $0x1;
	s10 =	sld [smem:$0x3FAE];
	_ =	sdelay $0x3  }
0x37: {  	[smem:$0x3FAE] =	sst s10  }
0x38: {  	s10 =	sld [smem:$0x3FAF]  }
0x39: {  	_ = 	snop;
	(pc) =	sbr.ind lr, $3  }
0x3a: {  	_ = 	snop  }
0x3b: {  	_ = 	snop  }
0x3c: {  	p2 =	seq.s32 s10, $0x1;
	s10 =	sld [smem:$0x3FAE]  }
0x3d: {  	_ =	shalt  }
0x3e: {  	_ =	shalt  }
0x3f: {  	_ =	shalt  }
0x40: {  	_ =	shalt  }
0x41: {  	_ =	shalt  }
0x42: {  	_ =	shalt  }
0x43: {  	_ =	shalt  }
0x44: {  	_ =	shalt  }
0x45: {  	_ =	shalt  }
0x46: {  	_ =	shalt  }
0x47: {  	_ =	shalt  }
0x48: {  	_ =	shalt  }
0x49: {  	_ =	shalt  }
0x4a: {  	_ =	shalt  }
0x4b: {  	_ =	shalt  }
0x4c: {  	_ =	shalt  }
0x4d: {  	_ =	shalt  }
0x4e: {  	_ =	shalt  }
0x4f: {  	_ =	shalt  }
0x50: {  	_ =	shalt  }
0x51: {  	_ =	shalt  }
0x52: {  	_ =	shalt  }
0x53: {  	_ =	shalt  }
0x54: {  	_ =	shalt  }
0x55: {  	_ =	shalt  }
0x56: {  	_ =	shalt  }
0x57: {  	_ =	shalt  }
0x58: {  	_ =	shalt  }
0x59: {  	_ =	shalt  }
0x5a: {  	_ =	shalt  }
0x5b: {  	_ =	shalt  }
0x5c: {  	_ =	shalt  }
0x5d: {  	_ =	shalt  }
0x5e: {  	_ =	shalt  }
0x5f: {  	_ =	shalt  }
0x60: {  	_ =	shalt  }
0x61: {  	_ =	shalt  }
0x62: {  	_ =	shalt  }
0x63: {  	_ =	shalt  }
0x64: {  	_ =	shalt  }
0x65: {  	_ =	shalt  }
0x66: {  	_ =	shalt  }
0x67: {  	_ =	shalt  }
0x68: {  	_ =	shalt  }
0x69: {  	_ =	shalt  }
0x6a: {  	_ =	shalt  }
0x6b: {  	_ =	shalt  }
0x6c: {  	_ =	shalt  }
0x6d: {  	_ =	shalt  }
0x6e: {  	_ =	shalt  }
0x6f: {  	_ =	shalt  }
0x70: {  	_ =	shalt  }
0x71: {  	_ =	shalt  }
0x72: {  	_ =	shalt  }
0x73: {  	_ =	shalt  }
0x74: {  	_ =	shalt  }
0x75: {  	_ =	shalt  }
0x76: {  	_ =	shalt  }
0x77: {  	_ =	shalt  }
0x78: {  	_ =	shalt  }
0x79: {  	_ =	shalt  }
0x7a: {  	_ =	shalt  }
0x7b: {  	_ =	shalt  }
0x7c: {  	_ =	shalt  }
0x7d: {  	_ =	shalt  }
0x7e: {  	_ =	shalt  }
0x7f: {  	_ =	shalt  }
0x80: {  	_ =	shalt  }
0x81: {  	_ =	shalt  }
0x82: {  	_ =	shalt  }
0x83: {  	_ =	shalt  }
0x84: {  	_ =	shalt  }
0x85: {  	_ =	shalt  }
0x86: {  	_ =	shalt  }
0x87: {  	_ =	shalt  }
.Lfunc_end0:
.L_simem_size_0:
called_computation_lowered:
.L_overlay_start_0:
0x88: {  	s2 =	sld [smem:$0x3FD9]  }
0x89: {  	s3 =	sld [smem:$0x3FFE];
	_ =	sdelay $0x1  }
0x8a: {  	s1 =	srdreg.scid  }
0x8b: {  	s0 =	sand.u32 $0x1, s1  }
0x8c: {  	s14 =	sshll.u32 s0, $0xA;
	s2 =	sadd.s32 s3, s2  }
0x8d: {  	s2 =	sadd.s32 s2, s14  }
0x8e: {  	[smem:$0x3FBA] =	sst s2  }
0x8f: {  	_ = 	snop  }
0x90: {  	s2 =	sld [smem:$0x3FD0];
	_ =	sdelay $0x2  }
0x91: {  	s15 =	simm.s32 $0xA;
	s4 =	simm.s32 $0x10  }
0x92: {  	[smem:s4], [sflag:s15] =	dma.local [hbm:s2], $0x1  }
0x93: {  	_ =	swait.eq [sflag:s15], $0x1  }
0x94: {  	s16 =	sld [smem:$0x10];
	[sflag:s15] =	ssyncset.done $0x0  }
0x95: {  	s17 =	sld [smem:$0x11];
	[sflag:s15] =	ssyncadd.s32 $0xFFFFFFFF  }
0x96: {  	s18 =	sld [smem:$0x12];
	(tm) =	ssettm $0x1  }
0x97: {  	s5 =	sld [smem:$0x3FFB];
	_ =	sdelay $0x3  }
0x98: {  	_ =	strace s5  }
0x99: {  	s5 =	sld [smem:$0x3FFC];
	_ =	sdelay $0x3  }
0x9a: {  	_ =	strace s5  }
0x9b: {  	s5 =	sld [smem:$0x3FFD];
	_ =	sdelay $0x3  }
0x9c: {  	_ =	strace s5  }
0x9d: {  	_ =	strace $0x8FFFFFFF  }
0x9e: {  	s19 =	sld [smem:$0x3FDB];
	_ =	sdelay $0x1  }
0x9f: {  	s6 =	simm.s32 $_scs_section_size  }
0xa0: {  	s7 =	simm.s32 $_size__tile_overlayer_lowered;
	s8 =	simm.s32 $_tile_overlayer_lowered  }
0xa1: {  	s22 =	simm.s32 $0x1BFF;
	s21 =	sshll.u32 s8, $0x1;
	s5 =	sadd.s32 s6, s19  }
0xa2: {  	s9 =	simm.s32 $0x0;
	s20 =	sshll.u32 s7, $0x1;
	s7 =	sadd.s32 s21, s5  }
0xa3: {  	[timem:s9], [sflag:s22] =	dma.local [hbm:s7], s20  }
0xa4: {  	_ =	swait.ge [sflag:s22], s20  }
0xa5: {  	s6 =	ssub.s32 $0x0, s20;
	[sflag:s22] =	ssyncset.done $0x0  }
0xa6: {  	[sflag:s22] =	ssyncadd.s32 s6;
	_ =	sdelay $0x1  }
0xa7: {  	s23 =	simm.s32 $0x1B8B  }
0xa8: {  	_ =	swait.ge [sflag:s23], $0x1  }
0xa9: {  	[sflag:s23] =	ssyncset.done $0x0  }
0xaa: {  	s25 =	simm.s32 $0x1B8E;
	s24 =	sld [smem:$0x3FFE];
	[sflag:s23] =	ssyncadd.s32 $0xFFFFFFFF  }
0xab: {  	s26 =	simm.s32 $execute0_lowered;
	[smem:$0x3FD2] =	sst s25  }
0xac: {  	s7 =	sshll.u32 s26, $0x1;
	_ =	strace $0x80000046;
	[dreg:$0x1] =	wrdreg $0xFFFFFFFF  }
0xad: {  	s28 =	simm.s32 $_size_execute0_lowered;
	s5 =	sadd.s32 s5, s7;
	[dreg:$0x0] =	wrdreg $0x0  }
0xae: {  	s7 =	sshll.u32 s28, $0x1;
	[dreg:$0x2] =	wrdreg s5  }
0xaf: {  	[dreg:$0x3] =	wrdreg s7  }
0xb0: {  	[dreg:$0x4] =	wrdreg $0xC0  }
0xb1: {  	_ =	task [dreg:s9], $0x5FFFF  }
0xb2: {  	[dreg:$0x1] =	wrdreg $0xFFFFFFFF  }
0xb3: {  	[dreg:$0x0] =	wrdreg $0x60  }
0xb4: {  	[dreg:$0x2] =	wrdreg s24  }
0xb5: {  	[dreg:$0x3] =	wrdreg s16  }
0xb6: {  	[dreg:$0x4] =	wrdreg s18  }
0xb7: {  	[dreg:$0x5] =	wrdreg s17  }
0xb8: {  	[dreg:$0x6] =	wrdreg $0x41000  }
0xb9: {  	[dreg:$0x7] =	wrdreg $0xF1000  }
0xba: {  	[dreg:$0x8] =	wrdreg $0x9  }
0xbb: {  	_ =	task.clear_ibuf [dreg:s9], $0x9FFFF;
	_ =	strace $0x90000046  }
0xbc: {  	s29 =	simm.s32 $0x9;
	_ =	strace $0x80000048  }
0xbd: {  	_ =	swait.ge [sflag:s29], $0x1  }
0xbe: {  	[sflag:s29] =	ssyncadd.s32 $0xFFFFFFFF  }
0xbf: {  	_ =	strace $0x90000048  }
0xc0: {  	_ =	sfence  }
0xc1: {  	s30 =	sld [smem:$0x0];
	_ =	sdelay $0x2  }
0xc2: {  	s31 =	sshll.u32 s1, $0xD;
	s1 =	sshrl.u32 s1, $0x2  }
0xc3: {  	s3 =	sand.u32 $0x4000, s31;
	s1 =	sadd.s32 s1, s30  }
0xc4: {  	s0 =	sor.u32 s3, s0;
	s1 =	sshll.u32 s1, $0x11  }
0xc5: {  	s0 =	sor.u32 s1, s0  }
0xc6: {  	s0 =	sadd.s32 $0x8F2B, s0  }
0xc7: {  	[sflag:s0] =	ssyncadd.remote.s32 $0x1  }
0xc8: {  	_ =	sfence.sel $0xFFFF  }
0xc9: {  	[dreg:$0x0] =	wrdreg $0xFFFFFFFF;
	(pc) =	sbr.abs _section_cstart, $3  }
0xca: {  	[dreg:$0x1] =	wrdreg $0xFFFFFFFF  }
0xcb: {  	_ =	task.clear_ibuf [dreg:s9], $0x2FFFF;
	_ =	strace $0x9FFFFFFF  }
0xcc: {  	(tm) =	ssettm $0x7FFFFFFF  }
0xcd: {  	_ =	shalt  }
tec
execute0_lowered:
.L_overlay_start_1:
0x0: {  	(tag) =	ssettag $0x1  }
0x1: {  	s0 =	rddreg [dreg:$0x0]  }
0x2: {  	s1 =	rddreg [dreg:$0x1];
	s17 =	stileid.u32  }
0x3: {  	s2 =	srdreg.scid;
	s4 =	smul.u32 $0x4E80, s17  }
0x4: {  	s30 =	rddreg [dreg:$0x3];
	s6 =	smul.u32 $0x280, s17  }
0x5: {  	s3 =	simm.s32 $0x0;
	s2 =	sand.u32 $0x1, s2;
	s20 =	smul.u32 $0x2800, s17  }
0x6: {  	[smem:$0x7FF] =	sst s3;
	s7 =	sadd.s32 $0x45800, s0;
	s5 =	smul.u32 $0x4E800, s2  }
0x7: {  	s8 =	sadd.s32 $0x40800, s0;
	s21 =	ssub.s32 $0x2, s2;
	s13 =	smul.u32 $0xA0000, s2  }
0x8: {  	p0 =	sne.s32 s2, $0x0;
	s2 =	simm.s32 $0xE900;
	s9 =	sshrl.u32 s21, $0x1  }
0x9: {  	s10 =	sadd.s32 $0x80, s6;
	s11 =	sadd.s32 $0x100, s6;
	s12 =	sadd.s32 $0x180, s6  }
0xa: {  	s6 =	sadd.s32 $0x200, s6;
	s19 =	sshrl.u32 s20, $0x3;
	s4 =	sadd.s32 s4, s5  }
0xb: {  	s5 =	ssub.s32 s21, s9;
	s9 =	smul.u32 $0xA000, s17;
	s14 =	sshll.u32 s10, $0x6  }
0xc: {  	s24 =	sshll.u32 s11, $0x6;
	s26 =	sshll.u32 s12, $0x6;
	s29 =	sshll.u32 s6, $0x6  }
0xd: {  	s10 =	sshll.u32 s10, $0x1;
	s11 =	sshll.u32 s11, $0x1;
	s6 =	sshll.u32 s6, $0x1  }
0xe: {  	s16 =	sadd.s32 s13, s14;
	s23 =	sadd.s32 s13, s24;
	s25 =	sadd.s32 s13, s26  }
0xf: {  	s21 =	sadd.s32 s8, s10;
	s6 =	sadd.s32 s8, s6;
	s10 =	sshrl.u32 s14, $0x2  }
0x10: {  	s15 =	sadd.s32 s9, s13;
	s16 =	sshrl.u32 s16, $0x3;
	[dreg:$0xd] =	wrdreg s21  }
0x11: {  	s13 =	sadd.s32 s13, s29;
	[dreg:$0x10] =	wrdreg s6;
	s6 =	simm.s32 $0x1  }
0x12: {  	s15 =	sshrl.u32 s15, $0x3;
	s22 =	sadd.s32 s7, s16;
	s16 =	sshrl.u32 s25, $0x3  }
0x13: {  	s13 =	sshrl.u32 s13, $0x3;
	s15 =	sadd.s32 s7, s15;
	[dreg:$0x8] =	wrdreg s22  }
0x14: {  	s25 =	smul.u32 $0x9D0, s17;
	s18 =	sadd.s32 s7, s16;
	[dreg:$0x7] =	wrdreg s15  }
0x15: {  	s22 =	sadd.s32 s8, s11;
	s11 =	sshrl.u32 s24, $0x2;
	[dreg:$0xa] =	wrdreg s18  }
0x16: {  	s16 =	smax.u32 s5, $0x1;
	s5 =	simm.s32 $0x100;
	[dreg:$0xe] =	wrdreg s22  }
0x17: {  	s15 =	sshrl.u32 s23, $0x3;
	s23 =	sshll.u32 s12, $0x1;
	s12 =	rddreg [dreg:$0x4]  }
0x18: {  	s17 =	sadd.s32 s25, s1;
	s18 =	sadd.s32 $0x18800, s0;
	s15 =	sadd.s32 s7, s15  }
0x19: {  	s7 =	sadd.s32 s7, s13;
	s21 =	sadd.s32 s14, s12;
	[dreg:$0x9] =	wrdreg s15  }
0x1a: {  	s25 =	sadd.s32 s26, s12;
	s13 =	sshrl.u32 s26, $0x2;
	[dreg:$0xb] =	wrdreg s7  }
0x1b: {  	s28 =	sadd.s32 s29, s12;
	s7 =	sadd.s32 s8, s19;
	s15 =	rddreg [dreg:$0x5]  }
0x1c: {  	s14 =	sshrl.u32 s29, $0x2;
	s19 =	sadd.s32 s9, s12;
	[dreg:$0xc] =	wrdreg s7  }
0x1d: {  	s7 =	sadd.s32 s8, s23;
	s8 =	sshrl.u32 s4, $0x3;
	s20 =	sadd.s32 s20, s15  }
0x1e: {  	s22 =	sadd.s32 s10, s15;
	s23 =	sadd.s32 s24, s12;
	s24 =	sadd.s32 s11, s15  }
0x1f: {  	s26 =	sadd.s32 s13, s15;
	s29 =	sadd.s32 s14, s15;
	s13 =	sadd.s32 $0x100, s30  }
0x20: {  	s4 =	simm.s32 $0x80;
	[dreg:$0xf] =	wrdreg s7;
	s1 =	sadd.s32 s8, s0  }
0x21: {  	s0 =	simm.s32 $0x2100;
	s7 =	simm.s32 $0x0;
	_ =	strace $0x80000047  }
0x22: {  	[dreg:$0x11] =	wrdreg s16;
	s31 =	sadd.s32 $0x4E00, s1;
	s1 =	simm.s32 $0x2  }
.LBB2_1:
0x23: {  	s8 =	rddreg [dreg:$0x2]  }
0x24: {  	[tilespmem:s0], [sflag:$0x2] =	stream.linear.gather [hbm4b:s8+s3], $0x2000, $0x38;
	[tilespmem:$0x11900] =	vst v63  }
0x25: {  	_ =	swait.ge [sflag:s1], $0x2000  }
0x26: {  	[sflag:s1] =	ssyncset.done $0x0  }
0x27: {  	[sflag:s1] =	ssyncadd.s32 $0xFFFFE000  }
0x28: {  	[spmem:s19] =	stream.linear.scatter [tilespmem:s0], [sflag:$0x2], $0x2000, $0x38;
	[tilespmem:$0x11900] =	vst v63  }
0x29: {  	_ =	swait.ge [sflag:s1], $0x2000  }
0x2a: {  	[sflag:s1] =	ssyncset.done $0x0  }
0x2b: {  	[sflag:s1] =	ssyncadd.s32 $0xFFFFE000  }
0x2c: {  	[spmem:s21] =	stream.linear.scatter [tilespmem:s0], [sflag:$0x2], $0x2000, $0x38;
	[tilespmem:$0x11900] =	vst v63  }
0x2d: {  	_ =	swait.ge [sflag:s1], $0x2000  }
0x2e: {  	[sflag:s1] =	ssyncset.done $0x0  }
0x2f: {  	[sflag:s1] =	ssyncadd.s32 $0xFFFFE000  }
0x30: {  	[spmem:s23] =	stream.linear.scatter [tilespmem:s0], [sflag:$0x2], $0x2000, $0x38;
	[tilespmem:$0x11900] =	vst v63  }
0x31: {  	_ =	swait.ge [sflag:s1], $0x2000  }
0x32: {  	[sflag:s1] =	ssyncset.done $0x0  }
0x33: {  	[sflag:s1] =	ssyncadd.s32 $0xFFFFE000  }
0x34: {  	[spmem:s25] =	stream.linear.scatter [tilespmem:s0], [sflag:$0x2], $0x2000, $0x38;
	[tilespmem:$0x11900] =	vst v63  }
0x35: {  	_ =	swait.ge [sflag:s1], $0x2000  }
0x36: {  	[sflag:s1] =	ssyncset.done $0x0  }
0x37: {  	[sflag:s1] =	ssyncadd.s32 $0xFFFFE000  }
0x38: {  	[spmem:s28] =	stream.linear.scatter [tilespmem:s0], [sflag:$0x2], $0x2000, $0x38;
	[tilespmem:$0x11900] =	vst v63  }
0x39: {  	_ =	swait.ge [sflag:s1], $0x2000  }
0x3a: {  	[sflag:s1] =	ssyncset.done $0x0  }
0x3b: {  	s11 =	simm.s32 $0xE100;
	[sflag:s1] =	ssyncadd.s32 $0xFFFFE000  }
0x3c: {  	[tilespmem:s11], [sflag:$0x2] =	stream.linear.gather [hbm4b:s13+s3], $0x800, $0x38;
	[tilespmem:$0x11900] =	vst v63  }
0x3d: {  	_ =	swait.ge [sflag:s1], $0x800  }
0x3e: {  	[sflag:s1] =	ssyncset.done $0x0  }
0x3f: {  	[sflag:s1] =	ssyncadd.s32 $0xFFFFF800  }
0x40: {  	s14 =	rddreg [dreg:$0x3]  }
0x41: {  	[tilespmem:s2], [sflag:$0x2] =	stream.linear.gather [hbm4b:s14+s3], $0x800, $0x38;
	[tilespmem:$0x11900] =	vst v63  }
0x42: {  	_ =	swait.ge [sflag:s1], $0x800  }
0x43: {  	[sflag:s1] =	ssyncset.done $0x0  }
0x44: {  	[sflag:s1] =	ssyncadd.s32 $0xFFFFF800  }
0x45: {  	[spmem:s20] =	stream.linear.scatter [tilespmem:s2], [sflag:$0x2], $0x800, $0x38;
	[tilespmem:$0x11900] =	vst v63  }
0x46: {  	_ =	swait.ge [sflag:s1], $0x800  }
0x47: {  	[sflag:s1] =	ssyncset.done $0x0  }
0x48: {  	[sflag:s1] =	ssyncadd.s32 $0xFFFFF800  }
0x49: {  	[spmem:s22] =	stream.linear.scatter [tilespmem:s2], [sflag:$0x2], $0x800, $0x38;
	[tilespmem:$0x11900] =	vst v63  }
0x4a: {  	_ =	swait.ge [sflag:s1], $0x800  }
0x4b: {  	[sflag:s1] =	ssyncset.done $0x0  }
0x4c: {  	[sflag:s1] =	ssyncadd.s32 $0xFFFFF800  }
0x4d: {  	[spmem:s24] =	stream.linear.scatter [tilespmem:s2], [sflag:$0x2], $0x800, $0x38;
	[tilespmem:$0x11900] =	vst v63  }
0x4e: {  	_ =	swait.ge [sflag:s1], $0x800  }
0x4f: {  	[sflag:s1] =	ssyncset.done $0x0  }
0x50: {  	[sflag:s1] =	ssyncadd.s32 $0xFFFFF800  }
0x51: {  	[spmem:s26] =	stream.linear.scatter [tilespmem:s2], [sflag:$0x2], $0x800, $0x38;
	[tilespmem:$0x11900] =	vst v63  }
0x52: {  	_ =	swait.ge [sflag:s1], $0x800  }
0x53: {  	[sflag:s1] =	ssyncset.done $0x0  }
0x54: {  	[sflag:s1] =	ssyncadd.s32 $0xFFFFF800  }
0x55: {  	[spmem:s29] =	stream.linear.scatter [tilespmem:s2], [sflag:$0x2], $0x800, $0x38;
	[tilespmem:$0x11900] =	vst v63  }
0x56: {  	_ =	swait.ge [sflag:s1], $0x800  }
0x57: {  	[sflag:s1] =	ssyncset.done $0x0  }
0x58: {  	[sflag:s1] =	ssyncadd.s32 $0xFFFFF800  }
0x59: {  	s16 =	sadd.s32 $0x0, s31;
	[bflag:$0x0] =	sbarrier.arrive $0xFFFF  }
0x5a: {  	[tilespmem:s3], [sflag:$0x2] =	stream.linear.gather [hbm4b:s16+s3], $0x80, $0x38;
	[tilespmem:$0x11900] =	vst v63  }
0x5b: {  	_ =	swait.ge [sflag:s1], $0x80  }
0x5c: {  	[sflag:s1] =	ssyncset.done $0x0  }
0x5d: {  	s30 =	sadd.s32 $0x0, s17;
	[sflag:s1] =	ssyncadd.s32 $0xFFFFFF80  }
0x5e: {  	[tilespmem:s4], [sflag:$0x2] =	stream.linear.gather [hbm4b:s30+s3], $0x80, $0x38;
	[tilespmem:$0x11900] =	vst v63  }
0x5f: {  	_ =	swait.ge [sflag:s1], $0x80  }
0x60: {  	[sflag:s1] =	ssyncset.done $0x0  }
0x61: {  	[sflag:s1] =	ssyncadd.s32 $0xFFFFFF80  }
0x62: {  	[tilespmem:s5], [sflag:$0x1] =	stream.indirect.gather [hbm4b:s18+s4], $0x40, s3, s4, $0xb8;
	[tilespmem:$0x11900] =	vst v63  }
0x63: {  	s9 =	simm.s32 @!p0 $0xE100;
	s10 =	simm.s32 @!p0 $0x2;
	s8 =	simm.s32 @!p0 $0x80  }
0x64: {  	[spmem:s15] =	stream.indirect.scatter.add.f32 @!p0 [tilespmem:s9], [sflag:$0x2], $0x10, s8, s8, $0xb8;
	[tilespmem:$0x11900] =	vst v63  }
0x65: {  	_ =	swait.ge @!p0 [sflag:s10], $0x800  }
0x66: {  	[sflag:s10] =	ssyncset.done @!p0 $0x0  }
0x67: {  	[sflag:s10] =	ssyncadd.s32 @!p0 $0xFFFFF800  }
0x68: {  	_ =	swait.ge [sflag:s6], $0x2000  }
0x69: {  	[sflag:s6] =	ssyncset.done $0x0  }
0x6a: {  	[sflag:s6] =	ssyncadd.s32 $0xFFFFE000  }
0x6b: {  	[spmem:s12] =	stream.indirect.scatter.add.f32 [tilespmem:s5], [sflag:$0x2], $0x40, s4, s4, $0xb8;
	[tilespmem:$0x11900] =	vst v63  }
0x6c: {  	_ =	swait.ge [sflag:s1], $0x2000  }
0x6d: {  	s11 =	simm.s32 $0x10;
	s14 =	simm.s32 $0x20;
	[sflag:s1] =	ssyncset.done $0x0  }
.LBB2_2:
0x6e: {  	s16 =	sadd.s32 s11, s31  }
0x6f: {  	[sflag:s1] =	ssyncadd.s32 $0xFFFFE000;
	s30 =	smov.u32 s14;
	s14 =	sadd.s32 $0x10, s14  }
0x70: {  	[tilespmem:s3], [sflag:$0x2] =	stream.linear.gather [hbm4b:s16+s3], $0x80, $0x38;
	[tilespmem:$0x11900] =	vst v63  }
0x71: {  	p1 =	sne.s32 s14, $0x9D0;
	_ =	swait.ge [sflag:s1], $0x80  }
0x72: {  	[sflag:s1] =	ssyncset.done $0x0  }
0x73: {  	s16 =	sadd.s32 s11, s17;
	s11 =	smov.u32 s30;
	[sflag:s1] =	ssyncadd.s32 $0xFFFFFF80  }
0x74: {  	[tilespmem:s4], [sflag:$0x2] =	stream.linear.gather [hbm4b:s16+s3], $0x80, $0x38;
	[tilespmem:$0x11900] =	vst v63  }
0x75: {  	_ =	swait.ge [sflag:s1], $0x80  }
0x76: {  	[sflag:s1] =	ssyncset.done $0x0  }
0x77: {  	[sflag:s1] =	ssyncadd.s32 $0xFFFFFF80  }
0x78: {  	[tilespmem:s5], [sflag:$0x1] =	stream.indirect.gather [hbm4b:s18+s4], $0x40, s3, s4, $0xb8;
	[tilespmem:$0x11900] =	vst v63  }
0x79: {  	_ = 	snop  }
0x7a: {  	[spmem:s15] =	stream.indirect.scatter.add.f32 @!p0 [tilespmem:s9], [sflag:$0x2], $0x10, s8, s8, $0xb8;
	[tilespmem:$0x11900] =	vst v63  }
0x7b: {  	_ =	swait.ge @!p0 [sflag:s10], $0x800  }
0x7c: {  	[sflag:s10] =	ssyncset.done @!p0 $0x0  }
0x7d: {  	[sflag:s10] =	ssyncadd.s32 @!p0 $0xFFFFF800  }
0x7e: {  	_ =	swait.ge [sflag:s6], $0x2000  }
.Ltmp0:
0x7f: {  	[sflag:s6] =	ssyncset.done $0x0;
	(pc) =	sbr.rel @p1 .LBB2_2-.Ltmp0, $4  }
0x80: {  	[sflag:s6] =	ssyncadd.s32 $0xFFFFE000  }
0x81: {  	[spmem:s12] =	stream.indirect.scatter.add.f32 [tilespmem:s5], [sflag:$0x2], $0x40, s4, s4, $0xb8;
	[tilespmem:$0x11900] =	vst v63  }
0x82: {  	_ =	swait.ge [sflag:s1], $0x2000  }
0x83: {  	[sflag:s1] =	ssyncset.done $0x0  }
0x84: {  	s8 =	sadd.s32 s11, s31;
	[sflag:s1] =	ssyncadd.s32 $0xFFFFE000  }
0x85: {  	[tilespmem:s3], [sflag:$0x2] =	stream.linear.gather [hbm4b:s8+s3], $0x80, $0x38;
	[tilespmem:$0x11900] =	vst v63  }
0x86: {  	_ =	swait.ge [sflag:s1], $0x80  }
0x87: {  	[sflag:s1] =	ssyncset.done $0x0  }
0x88: {  	s16 =	sadd.s32 s11, s17;
	[sflag:s1] =	ssyncadd.s32 $0xFFFFFF80  }
0x89: {  	[tilespmem:s4], [sflag:$0x2] =	stream.linear.gather [hbm4b:s16+s3], $0x80, $0x38;
	[tilespmem:$0x11900] =	vst v63  }
0x8a: {  	_ =	swait.ge [sflag:s1], $0x80  }
0x8b: {  	[sflag:s1] =	ssyncset.done $0x0  }
0x8c: {  	[sflag:s1] =	ssyncadd.s32 $0xFFFFFF80  }
0x8d: {  	[tilespmem:s5], [sflag:$0x1] =	stream.indirect.gather [hbm4b:s18+s4], $0x40, s3, s4, $0xb8;
	[tilespmem:$0x11900] =	vst v63  }
0x8e: {  	s9 =	simm.s32 @!p0 $0x80;
	s10 =	simm.s32 @!p0 $0xE100;
	s8 =	simm.s32 @!p0 $0x2  }
0x8f: {  	[spmem:s15] =	stream.indirect.scatter.add.f32 @!p0 [tilespmem:s10], [sflag:$0x2], $0x10, s9, s9, $0xb8;
	[tilespmem:$0x11900] =	vst v63  }
0x90: {  	_ =	swait.ge @!p0 [sflag:s8], $0x800  }
0x91: {  	[sflag:s8] =	ssyncset.done @!p0 $0x0  }
0x92: {  	[sflag:s8] =	ssyncadd.s32 @!p0 $0xFFFFF800  }
0x93: {  	_ =	swait.ge [sflag:s6], $0x2000  }
0x94: {  	[sflag:s6] =	ssyncset.done $0x0  }
0x95: {  	[sflag:s6] =	ssyncadd.s32 $0xFFFFE000  }
0x96: {  	[spmem:s12] =	stream.indirect.scatter.add.f32 [tilespmem:s5], [sflag:$0x2], $0x40, s4, s4, $0xb8;
	[tilespmem:$0x11900] =	vst v63  }
0x97: {  	_ =	swait.ge [sflag:s1], $0x2000  }
0x98: {  	[sflag:s1] =	ssyncset.done $0x0  }
0x99: {  	[sflag:s1] =	ssyncadd.s32 $0xFFFFE000  }
0x9a: {  	[bflag:$0x0] =	sbarrier.arrive $0xFFFF  }
0x9b: {  	[tilespmem:s5], [sflag:$0x2] =	stream.linear.gather [spmem:s19], $0x2000, $0x38;
	[tilespmem:$0x11900] =	vst v63  }
0x9c: {  	_ =	swait.ge [sflag:s1], $0x2000  }
0x9d: {  	[sflag:s1] =	ssyncset.done $0x0  }
0x9e: {  	s30 =	rddreg [dreg:$0x7];
	[sflag:s1] =	ssyncadd.s32 $0xFFFFE000  }
0x9f: {  	[hbm4b:s30+s3] =	stream.linear.scatter [tilespmem:s5], [sflag:$0x2], $0x2000, $0x38;
	[tilespmem:$0x11900] =	vst v63  }
0xa0: {  	_ =	swait.ge [sflag:s1], $0x2000  }
0xa1: {  	[sflag:s1] =	ssyncset.done $0x0  }
0xa2: {  	[sflag:s1] =	ssyncadd.s32 $0xFFFFE000  }
0xa3: {  	[tilespmem:s5], [sflag:$0x2] =	stream.linear.gather [spmem:s21], $0x2000, $0x38;
	[tilespmem:$0x11900] =	vst v63  }
0xa4: {  	_ =	swait.ge [sflag:s1], $0x2000  }
0xa5: {  	[sflag:s1] =	ssyncset.done $0x0  }
0xa6: {  	s10 =	rddreg [dreg:$0x8];
	[sflag:s1] =	ssyncadd.s32 $0xFFFFE000  }
0xa7: {  	[hbm4b:s10+s3] =	stream.linear.scatter [tilespmem:s5], [sflag:$0x2], $0x2000, $0x38;
	[tilespmem:$0x11900] =	vst v63  }
0xa8: {  	_ =	swait.ge [sflag:s1], $0x2000  }
0xa9: {  	[sflag:s1] =	ssyncset.done $0x0  }
0xaa: {  	[sflag:s1] =	ssyncadd.s32 $0xFFFFE000  }
0xab: {  	[tilespmem:s5], [sflag:$0x2] =	stream.linear.gather [spmem:s23], $0x2000, $0x38;
	[tilespmem:$0x11900] =	vst v63  }
0xac: {  	_ =	swait.ge [sflag:s1], $0x2000  }
0xad: {  	[sflag:s1] =	ssyncset.done $0x0  }
0xae: {  	s11 =	rddreg [dreg:$0x9];
	[sflag:s1] =	ssyncadd.s32 $0xFFFFE000  }
0xaf: {  	[hbm4b:s11+s3] =	stream.linear.scatter [tilespmem:s5], [sflag:$0x2], $0x2000, $0x38;
	[tilespmem:$0x11900] =	vst v63  }
0xb0: {  	_ =	swait.ge [sflag:s1], $0x2000  }
0xb1: {  	[sflag:s1] =	ssyncset.done $0x0  }
0xb2: {  	[sflag:s1] =	ssyncadd.s32 $0xFFFFE000  }
0xb3: {  	[tilespmem:s5], [sflag:$0x2] =	stream.linear.gather [spmem:s25], $0x2000, $0x38;
	[tilespmem:$0x11900] =	vst v63  }
0xb4: {  	_ =	swait.ge [sflag:s1], $0x2000  }
0xb5: {  	[sflag:s1] =	ssyncset.done $0x0  }
0xb6: {  	s14 =	rddreg [dreg:$0xa];
	[sflag:s1] =	ssyncadd.s32 $0xFFFFE000  }
0xb7: {  	[hbm4b:s14+s3] =	stream.linear.scatter [tilespmem:s5], [sflag:$0x2], $0x2000, $0x38;
	[tilespmem:$0x11900] =	vst v63  }
0xb8: {  	_ =	swait.ge [sflag:s1], $0x2000  }
0xb9: {  	[sflag:s1] =	ssyncset.done $0x0  }
0xba: {  	[sflag:s1] =	ssyncadd.s32 $0xFFFFE000  }
0xbb: {  	[tilespmem:s5], [sflag:$0x2] =	stream.linear.gather [spmem:s28], $0x2000, $0x38;
	[tilespmem:$0x11900] =	vst v63  }
0xbc: {  	_ =	swait.ge [sflag:s1], $0x2000  }
0xbd: {  	[sflag:s1] =	ssyncset.done $0x0  }
0xbe: {  	s16 =	rddreg [dreg:$0xb];
	[sflag:s1] =	ssyncadd.s32 $0xFFFFE000  }
0xbf: {  	[hbm4b:s16+s3] =	stream.linear.scatter [tilespmem:s5], [sflag:$0x2], $0x2000, $0x38;
	[tilespmem:$0x11900] =	vst v63  }
0xc0: {  	_ =	swait.ge [sflag:s1], $0x2000  }
0xc1: {  	[sflag:s1] =	ssyncset.done $0x0  }
0xc2: {  	s9 =	simm.s32 @!p0 $0xE900;
	[sflag:s1] =	ssyncadd.s32 $0xFFFFE000  }
0xc3: {  	[tilespmem:s9], [sflag:$0x2] =	stream.linear.gather @!p0 [spmem:s20], $0x800, $0x38;
	[tilespmem:$0x11900] =	vst v63  }
0xc4: {  	_ =	swait.ge @!p0 [sflag:s8], $0x800  }
0xc5: {  	[sflag:s8] =	ssyncset.done @!p0 $0x0  }
0xc6: {  	s10 =	simm.s32 @!p0 $0x0;
	s11 =	rddreg [dreg:$0xc];
	[sflag:s8] =	ssyncadd.s32 @!p0 $0xFFFFF800  }
0xc7: {  	[hbm4b:s11+s10] =	stream.linear.scatter @!p0 [tilespmem:s9], [sflag:$0x2], $0x800, $0x38;
	[tilespmem:$0x11900] =	vst v63  }
0xc8: {  	_ =	swait.ge @!p0 [sflag:s8], $0x800  }
0xc9: {  	[sflag:s8] =	ssyncset.done @!p0 $0x0  }
0xca: {  	[sflag:s8] =	ssyncadd.s32 @!p0 $0xFFFFF800  }
0xcb: {  	[tilespmem:s9], [sflag:$0x2] =	stream.linear.gather @!p0 [spmem:s22], $0x800, $0x38;
	[tilespmem:$0x11900] =	vst v63  }
0xcc: {  	_ =	swait.ge @!p0 [sflag:s8], $0x800  }
0xcd: {  	[sflag:s8] =	ssyncset.done @!p0 $0x0  }
0xce: {  	s11 =	rddreg [dreg:$0xd];
	[sflag:s8] =	ssyncadd.s32 @!p0 $0xFFFFF800  }
0xcf: {  	[hbm4b:s11+s10] =	stream.linear.scatter @!p0 [tilespmem:s9], [sflag:$0x2], $0x800, $0x38;
	[tilespmem:$0x11900] =	vst v63  }
0xd0: {  	_ =	swait.ge @!p0 [sflag:s8], $0x800  }
0xd1: {  	[sflag:s8] =	ssyncset.done @!p0 $0x0  }
0xd2: {  	[sflag:s8] =	ssyncadd.s32 @!p0 $0xFFFFF800  }
0xd3: {  	[tilespmem:s9], [sflag:$0x2] =	stream.linear.gather @!p0 [spmem:s24], $0x800, $0x38;
	[tilespmem:$0x11900] =	vst v63  }
0xd4: {  	_ =	swait.ge @!p0 [sflag:s8], $0x800  }
0xd5: {  	[sflag:s8] =	ssyncset.done @!p0 $0x0  }
0xd6: {  	s11 =	rddreg [dreg:$0xe];
	[sflag:s8] =	ssyncadd.s32 @!p0 $0xFFFFF800  }
0xd7: {  	[hbm4b:s11+s10] =	stream.linear.scatter @!p0 [tilespmem:s9], [sflag:$0x2], $0x800, $0x38;
	[tilespmem:$0x11900] =	vst v63  }
0xd8: {  	_ =	swait.ge @!p0 [sflag:s8], $0x800  }
0xd9: {  	[sflag:s8] =	ssyncset.done @!p0 $0x0  }
0xda: {  	[sflag:s8] =	ssyncadd.s32 @!p0 $0xFFFFF800  }
0xdb: {  	[tilespmem:s9], [sflag:$0x2] =	stream.linear.gather @!p0 [spmem:s26], $0x800, $0x38;
	[tilespmem:$0x11900] =	vst v63  }
0xdc: {  	_ =	swait.ge @!p0 [sflag:s8], $0x800  }
0xdd: {  	[sflag:s8] =	ssyncset.done @!p0 $0x0  }
0xde: {  	s11 =	rddreg [dreg:$0xf];
	[sflag:s8] =	ssyncadd.s32 @!p0 $0xFFFFF800  }
0xdf: {  	[hbm4b:s11+s10] =	stream.linear.scatter @!p0 [tilespmem:s9], [sflag:$0x2], $0x800, $0x38;
	[tilespmem:$0x11900] =	vst v63  }
0xe0: {  	_ =	swait.ge @!p0 [sflag:s8], $0x800  }
0xe1: {  	[sflag:s8] =	ssyncset.done @!p0 $0x0  }
0xe2: {  	[sflag:s8] =	ssyncadd.s32 @!p0 $0xFFFFF800  }
0xe3: {  	[tilespmem:s9], [sflag:$0x2] =	stream.linear.gather @!p0 [spmem:s29], $0x800, $0x38;
	[tilespmem:$0x11900] =	vst v63  }
0xe4: {  	_ =	swait.ge @!p0 [sflag:s8], $0x800  }
0xe5: {  	[sflag:s8] =	ssyncset.done @!p0 $0x0  }
0xe6: {  	s11 =	rddreg [dreg:$0x10];
	[sflag:s8] =	ssyncadd.s32 @!p0 $0xFFFFF800  }
0xe7: {  	[hbm4b:s11+s10] =	stream.linear.scatter @!p0 [tilespmem:s9], [sflag:$0x2], $0x800, $0x38;
	[tilespmem:$0x11900] =	vst v63  }
0xe8: {  	_ =	swait.ge @!p0 [sflag:s8], $0x800  }
0xe9: {  	s7 =	sadd.s32 $0x1, s7;
	s30 =	rddreg [dreg:$0x11]  }
0xea: {  	p1 =	sne.s32 s7, s30  }
.Ltmp1:
0xeb: {  	_ = 	snop;
	(pc) =	sbr.rel @p1 .LBB2_1-.Ltmp1, $3  }
0xec: {  	_ =	sdelay $0x1  }
0xed: {  	[sflag:s8] =	ssyncset.done @!p0 $0x0  }
0xee: {  	[sflag:s8] =	ssyncadd.s32 @!p0 $0xFFFFF800  }
0xef: {  	_ =	sfence.sel $0x180000  }
0xf0: {  	[bflag:$0x0] =	sbarrier.arrive $0xFFFF  }
0xf1: {  	_ =	strace $0x90000047  }
0xf2: {  	s0 =	stileid.u32;
	[bflag:$0x2] =	sbarrier.arrive $0xFFFF  }
0xf3: {  	p0 =	sne.s32 s0, $0x0;
	s0 =	rddreg [dreg:$0x6]  }
0xf4: {  	s0 =	sadd.s32 @!p0 $0x100000, s0  }
0xf5: {  	[sflag:s0] =	ssyncadd.tile.s32 @!p0 $0x1;
	_ =	shalt  }
.Lfunc_end2:
_tile_overlayer_lowered:
.L_overlay_start_2:
0xf6: {  	(tag) =	ssettag $0x2  }
0xf7: {  	s0 =	rddreg [dreg:$0x0];
	s2 =	stileid.u32  }
0xf8: {  	s1 =	rddreg [dreg:$0x1];
	p0 =	sne.s32 s2, $0x0  }
0xf9: {  	s3 =	rddreg [dreg:$0x2];
	[bflag:$0x3] =	sbarrier.arrive $0xFFFF;
	s2 =	simm.s32 @!p0 $0x1C02  }
0xfa: {  	[timem:s3], [sflag:s2] =	dma.local @!p0 [hbm:s0], s1  }
0xfb: {  	s0 =	simm.s32 @!p0 $0x2  }
0xfc: {  	_ =	swait.ge @!p0 [sflag:s0], s1  }
0xfd: {  	s1 =	ssub.s32 @!p0 $0x0, s1;
	[sflag:s0] =	ssyncset.done @!p0 $0x0  }
0xfe: {  	[sflag:s0] =	ssyncadd.s32 @!p0 s1  }
0xff: {  	[bflag:$0x3] =	sbarrier.arrive $0xFFFF  }
0x100: {  	_ =	shalt  }

</sc_bundles>
